<compile_context>
chip_gen: v7x
topology: tpu7x:2x2x1
jax: 0.10.2.dev20260603
libtpu: 0.0.44.dev20260713+nightly
codegen_flags: <defaults>
</compile_context>

<pallas_src>
import functools

import jax
import jax.numpy as jnp
import numpy as np
from jax import lax
from jax.experimental import pallas as pl
from jax.experimental.pallas import tpu as pltpu
from jax.experimental.pallas import tpu_sc as plsc

_CELL = 30.0
_CUTOFF = 5.0
_K = 96
_NC, _NS, _L = 2, 16, 16



def _stage_a(xcol_ref, xrow_ref, z_ref, emb_ref, packm_ref,
             packed_ref, h_ref, *, bi, ntp):
    ti = pl.program_id(0)
    n = xrow_ref.shape[1]
    i0 = ti * bi

    dsq = jnp.zeros((bi, n), jnp.float32)
    for c in range(3):
        xi = xcol_ref[pl.ds(i0, bi), c:c + 1]
        xj = xrow_ref[c:c + 1, :]
        dm = xj - xi
        off = (dm < -0.5 * _CELL).astype(jnp.float32) - \
              (dm >= 0.5 * _CELL).astype(jnp.float32)
        dm = dm + off * _CELL
        dsq = dsq + dm * dm
    mask = (dsq < _CUTOFF * _CUTOFF) & (dsq != 0.0)

    packed_f = jnp.dot(mask.astype(jnp.float32), packm_ref[:, :],
                       preferred_element_type=jnp.float32)
    packed_ref[:, :] = packed_f.astype(jnp.int32)

    zc = z_ref[pl.ds(i0, bi), :]
    h = jnp.zeros((bi, emb_ref.shape[1]), jnp.float32)
    for t in range(ntp):
        h = h + jnp.where(zc == t, 1.0, 0.0) * emb_ref[t:t + 1, :]
    h_ref[:, :] = h



def _make_stage_b(n, d, k):
    nw = _NC * _NS
    ap = n // nw
    wpa = n // _L
    gch = 128
    nch = ap * k // gch
    mesh = plsc.VectorSubcoreMesh(core_axis_name="c", subcore_axis_name="s")

    @functools.partial(
        pl.kernel, mesh=mesh,
        compiler_params=pltpu.CompilerParams(needs_layout_passes=False),
        out_type=[jax.ShapeDtypeStruct((n * k,), jnp.float32),
                  jax.ShapeDtypeStruct((n * k, d), jnp.float32)],
        scratch_types=[
            pltpu.VMEM((ap * wpa,), jnp.int32),
            pltpu.VMEM((n,), jnp.float32),
            pltpu.VMEM((n,), jnp.float32),
            pltpu.VMEM((n,), jnp.float32),
            pltpu.VMEM((ap * k + _L,), jnp.int32),
            pltpu.VMEM((ap * k + _L,), jnp.float32),
            pltpu.VMEM((wpa + _L,), jnp.int32),
            pltpu.VMEM((wpa + _L,), jnp.int32),
            [pltpu.VMEM((gch,), jnp.int32) for _ in range(4)],
            [pltpu.VMEM((gch, d), jnp.float32) for _ in range(4)],
            [pltpu.SemaphoreType.DMA for _ in range(4)],
            pltpu.VMEM_SHARED((n, d), jnp.float32),
        ],
    )
    def stage_b(packed_hbm, x_hbm, y_hbm, z_hbm, h_hbm, dsq_out, hnbr_out,
                pk_v, x_v, y_v, z_v, idx_v, dsq_v, widx_v, wval_v,
                idx_c, rows_v, sem, h_sh):
        wid = lax.axis_index("s") * _NC + lax.axis_index("c")
        base = wid * ap

        @pl.when(lax.axis_index("s") == 0)
        def _():
            pltpu.sync_copy(h_hbm, h_sh)

        pltpu.sync_copy(packed_hbm.at[pl.ds(base * wpa, ap * wpa)], pk_v)
        pltpu.sync_copy(x_hbm, x_v)
        pltpu.sync_copy(y_hbm, y_v)
        pltpu.sync_copy(z_hbm, z_v)

        lane = lax.broadcasted_iota(jnp.int32, (_L,), 0)

        def fill(t, c):
            idx_v[pl.ds(t * _L, _L)] = jnp.zeros((_L,), jnp.int32)
            dsq_v[pl.ds(t * _L, _L)] = jnp.full((_L,), 1e4, jnp.float32)
            return c
        lax.fori_loop(0, ap * k // _L, fill, 0)

        def atom_body(ii, c):
            i = base + ii
            isp = jnp.full((_L,), i, jnp.int32)
            xi = plsc.load_gather(x_v, [isp])
            yi = plsc.load_gather(y_v, [isp])
            zi = plsc.load_gather(z_v, [isp])

            def vreg_body(v, nwc):
                w = pk_v[pl.ds(ii * wpa + v * _L, _L)]
                m = w != 0
                plsc.store_compressed(widx_v.at[pl.ds(nwc, _L)],
                                      v * _L + lane, mask=m)
                plsc.store_compressed(wval_v.at[pl.ds(nwc, _L)], w, mask=m)
                return nwc + jnp.sum(m.astype(jnp.int32))
            nwc = lax.fori_loop(0, wpa // _L, vreg_body, 0)

            def word_body(kk, off):
                ksp = jnp.full((_L,), kk, jnp.int32)
                wi = plsc.load_gather(widx_v, [ksp])
                wv = plsc.load_gather(wval_v, [ksp])
                m = (lax.shift_right_logical(wv, lane) & 1) == 1
                j = wi * _L + lane
                xj = plsc.load_gather(x_v, [j])
                yj = plsc.load_gather(y_v, [j])
                zj = plsc.load_gather(z_v, [j])

                def mi(dv):
                    o = (dv < -0.5 * _CELL).astype(jnp.float32) - \
                        (dv >= 0.5 * _CELL).astype(jnp.float32)
                    return dv + o * _CELL
                dx = mi(xj - xi)
                dy = mi(yj - yi)
                dz = mi(zj - zi)
                dsq = dx * dx + dy * dy + dz * dz
                o = ii * k + off
                plsc.store_compressed(idx_v.at[pl.ds(o, _L)], j, mask=m)
                plsc.store_compressed(dsq_v.at[pl.ds(o, _L)], dsq, mask=m)
                return off + jnp.sum(m.astype(jnp.int32))
            lax.fori_loop(0, nwc, word_body, 0)
            return c
        lax.fori_loop(0, ap, atom_body, 0)

        pltpu.sync_copy(dsq_v.at[pl.ds(0, ap * k)],
                        dsq_out.at[pl.ds(base * k, ap * k)])

        nb = 4

        def prep_idx(b, cc):
            def cp(t, c2):
                idx_c[b][pl.ds(t * _L, _L)] = \
                    idx_v[pl.ds(cc * gch + t * _L, _L)]
                return c2
            lax.fori_loop(0, gch // _L, cp, 0)

        def gstart(b, cc):
            return pltpu.async_copy(h_sh.at[idx_c[b]], rows_v[b], sem[b])

        plsc.subcore_barrier()
        for b in range(nb):
            prep_idx(b, b)
            gstart(b, b)

        def ggroup(g, carry):
            for b in range(nb):
                cc = g * nb + b
                pltpu.make_async_copy(h_sh.at[idx_c[b]], rows_v[b],
                                      sem[b]).wait()
                pltpu.sync_copy(rows_v[b],
                                hnbr_out.at[pl.ds(base * k + cc * gch, gch)])

                @pl.when(cc + nb < nch)
                def _():
                    prep_idx(b, cc + nb)
                    gstart(b, cc + nb)
            return carry
        lax.fori_loop(0, nch // nb, ggroup, 0)

    return stage_b



def _stage_c(dsq_ref, hnbr_ref, h_ref, Wf_ref, W1_ref, b1_ref, w2row_ref,
             b2_ref, out_ref, *, bi, ng, k):
    ti = pl.program_id(0)
    d = W1_ref.shape[0]
    step = jnp.float32(_CUTOFF / (ng - 1))

    r = jnp.sqrt(dsq_ref[:, :])
    cen = lax.broadcasted_iota(jnp.int32, (1, ng), 1).astype(jnp.float32) \
        * step
    rbf = jnp.exp(-10.0 * (r - cen) ** 2)
    filt = jnp.dot(rbf.astype(jnp.bfloat16),
                   Wf_ref[:, :].astype(jnp.bfloat16),
                   preferred_element_type=jnp.float32)
    msg = filt * hnbr_ref[:, :]
    agg = jnp.sum(msg.reshape(bi, k, d), axis=1)

    hn = h_ref[:, :] + agg
    hidden = jnp.tanh(
        jnp.dot(hn.astype(jnp.bfloat16), W1_ref[:, :].astype(jnp.bfloat16),
                preferred_element_type=jnp.float32)
        + b1_ref[:, :])
    hb = hidden.astype(jnp.bfloat16).astype(jnp.float32)
    w2b = w2row_ref[:, :].astype(jnp.bfloat16).astype(jnp.float32)
    e_tile = jnp.sum(hb * w2b) + bi * b2_ref[0, 0]

    @pl.when(ti == 0)
    def _():
        out_ref[:, :] = jnp.zeros_like(out_ref)

    out_ref[:, :] = out_ref[:, :] + e_tile[None, None]



def _packm(n):
    jj = np.arange(n)[:, None]
    ww = np.arange(n // 16)[None, :]
    return jnp.asarray(((jj // 16 == ww) * (2.0 ** (jj % 16))
                        ).astype(np.float32))


@jax.jit
def kernel(q, z, emb, Wf, W1, b1, W2, b2):
    n = q.shape[0]
    d = emb.shape[1]
    ng = Wf.shape[0]
    ntypes = emb.shape[0]
    ntp = max(8, int(np.ceil(ntypes / 8)) * 8)
    k = _K
    wpa = n // 16

    bi = 128
    grid = n // bi

    qf = q.astype(jnp.float32)
    xcol = jnp.pad(qf, ((0, 0), (0, 8 - 3)))
    xrow = jnp.pad(qf.T, ((0, 8 - 3), (0, 0)))
    z2 = z.astype(jnp.int32).reshape(n, 1)
    embp = jnp.pad(emb, ((0, ntp - ntypes), (0, 0)))
    b1r = b1.reshape(1, d)
    w2row = W2.reshape(1, d)
    b2r = b2.reshape(1, 1)

    full = lambda shp: pl.BlockSpec(shp, lambda i: tuple(0 for _ in shp))
    rowblk = lambda shp: pl.BlockSpec(shp, lambda i: (i,) + (0,) * (len(shp) - 1))

    packed, h = pl.pallas_call(
        functools.partial(_stage_a, bi=bi, ntp=ntp),
        grid=(grid,),
        in_specs=[full((n, 8)), full((8, n)), full((n, 1)), full((ntp, d)),
                  full((n, wpa))],
        out_specs=[rowblk((bi, wpa)), rowblk((bi, d))],
        out_shape=[jax.ShapeDtypeStruct((n, wpa), jnp.int32),
                   jax.ShapeDtypeStruct((n, d), jnp.float32)],
        compiler_params=pltpu.CompilerParams(
            dimension_semantics=("arbitrary",)),
    )(xcol, xrow, z2, embp, _packm(n))

    stage_b = _make_stage_b(n, d, k)
    dsq_nbr, hnbr = stage_b(packed.reshape(n * wpa),
                            qf[:, 0], qf[:, 1], qf[:, 2], h)

    bic = 64
    out = pl.pallas_call(
        functools.partial(_stage_c, bi=bic, ng=ng, k=k),
        grid=(n // bic,),
        in_specs=[rowblk((bic * k, 1)), rowblk((bic * k, d)), rowblk((bic, d)),
                  full((ng, d)), full((d, d)), full((1, d)), full((1, d)),
                  full((1, 1))],
        out_specs=full((1, 1)),
        out_shape=jax.ShapeDtypeStruct((1, 1), jnp.float32),
        compiler_params=pltpu.CompilerParams(
            dimension_semantics=("arbitrary",)),
    )(dsq_nbr.reshape(n * k, 1), hnbr, h, Wf, W1, b1r, w2row, b2r)
    return out[0, 0]

# --- scband reference (transcript-rebuilt; emitter-appended) ---
"""Pipeline reference for scband-schwrap-8074538516853 (READ-ONLY COPY).

The authoritative reference and input builder live on the scoring server;
editing this copy changes nothing except your own understanding.
"""

import jax, jax.numpy as jnp
import numpy as np

CELL = 30.0
CUTOFF = 5.0
N_ATOMS = 2048
D = 128
NG = 64
NTYPES = 10


def setup_inputs(seed: int = 0) -> dict:
    key = jax.random.key(seed)
    ks = jax.random.split(key, 8)
    q = jax.random.uniform(ks[0], (N_ATOMS, 3), dtype=jnp.float32) * CELL
    z = jax.random.randint(ks[1], (N_ATOMS,), 0, NTYPES)
    emb = jax.random.normal(ks[2], (NTYPES, D), dtype=jnp.float32) * 0.1
    Wf = jax.random.normal(ks[3], (NG, D), dtype=jnp.float32) * 0.1
    W1 = jax.random.normal(ks[4], (D, D), dtype=jnp.float32) * (1.0 / np.sqrt(D))
    b1 = jnp.zeros((D,), jnp.float32)
    W2 = jax.random.normal(ks[5], (D, 1), dtype=jnp.float32) * (1.0 / np.sqrt(D))
    b2 = jnp.zeros((1,), jnp.float32)
    return {"q": q, "z": z, "emb": emb, "Wf": Wf, "W1": W1, "b1": b1, "W2": W2, "b2": b2}


def generate_nbr_list(xyz):
    # dis_mat[i, j] = xyz[j] - xyz[i]  (matches xyz[..., None, :, :] - xyz[..., :, None, :])
    dis_mat = xyz[None, :, :] - xyz[:, None, :]
    offsets = -(dis_mat >= 0.5 * CELL).astype(jnp.float32) + (dis_mat < -0.5 * CELL).astype(jnp.float32)
    dis_mat = dis_mat + offsets * CELL
    dis_sq = jnp.sum(dis_mat ** 2, axis=-1)
    mask = (dis_sq < CUTOFF ** 2) & (dis_sq != 0)
    n = xyz.shape[0]
    max_pairs = (n * (n - 1)) // 2
    triu_mask = jnp.triu(mask.astype(jnp.int32))
    iu, ju = jnp.nonzero(triu_mask, size=max_pairs, fill_value=0)
    count = jnp.sum(triu_mask)
    valid = (jnp.arange(max_pairs) < count).astype(jnp.float32)
    return jnp.stack([iu, ju], axis=1), valid


def _min_image(d):
    off = -(d >= 0.5 * CELL).astype(jnp.float32) + (d < -0.5 * CELL).astype(jnp.float32)
    return d + off * CELL


def _energy(xyz, i, j, valid, z, emb, Wf, W1, b1, W2, b2):
    d = _min_image(xyz[j] - xyz[i])
    r = jnp.sqrt(jnp.sum(d ** 2, axis=-1))
    centers = jnp.linspace(0.0, CUTOFF, NG, dtype=jnp.float32)
    rbf = jnp.exp(-10.0 * (r[:, None] - centers[None, :]) ** 2)   # [P, NG]
    filt = rbf @ Wf                                               # [P, D]
    h = jnp.take(emb, z, axis=0)                                  # [N, D]
    msg_to_i = jnp.take(h, j, axis=0) * filt * valid[:, None]
    msg_to_j = jnp.take(h, i, axis=0) * filt * valid[:, None]
    agg = jnp.zeros_like(h).at[i].add(msg_to_i).at[j].add(msg_to_j)
    h = h + agg
    hidden = jnp.tanh(h @ W1 + b1)
    e_atom = hidden @ W2 + b2
    return jnp.sum(e_atom)


def reference(q, z, emb, Wf, W1, b1, W2, b2):
    xyz = q.reshape(-1, 3)
    nbr_list, valid = generate_nbr_list(xyz)
    i, j = nbr_list[:, 0], nbr_list[:, 1]
    return _energy(xyz, i, j, valid, z, emb, Wf, W1, b1, W2, b2)

if __name__ == "__main__":
    import jax
    _d = setup_inputs()
    print(jax.jit(kernel)(*tuple(_d.values())))

</pallas_src>

<mosaic_0001>
#map = affine_map<(d0, d1) -> (0)>
#map1 = affine_map<(d0, d1) -> (0, 0)>
module attributes {stable_mosaic.version = 14 : i64} {
  func.func @stage_b(%arg0: i32, %arg1: i32, %arg2: memref<262144xi32, #tpu.memory_space<hbm>>, %arg3: memref<2048xf32, #tpu.memory_space<hbm>>, %arg4: memref<2048xf32, #tpu.memory_space<hbm>>, %arg5: memref<2048xf32, #tpu.memory_space<hbm>>, %arg6: memref<2048x128xf32, #tpu.memory_space<hbm>>, %arg7: memref<196608xf32, #tpu.memory_space<hbm>>, %arg8: memref<196608x128xf32, #tpu.memory_space<hbm>>, %arg9: memref<8192xi32, #tpu.memory_space<vmem>>, %arg10: memref<2048xf32, #tpu.memory_space<vmem>>, %arg11: memref<2048xf32, #tpu.memory_space<vmem>>, %arg12: memref<2048xf32, #tpu.memory_space<vmem>>, %arg13: memref<6160xi32, #tpu.memory_space<vmem>>, %arg14: memref<6160xf32, #tpu.memory_space<vmem>>, %arg15: memref<144xi32, #tpu.memory_space<vmem>>, %arg16: memref<144xi32, #tpu.memory_space<vmem>>, %arg17: memref<128xi32, #tpu.memory_space<vmem>>, %arg18: memref<128xi32, #tpu.memory_space<vmem>>, %arg19: memref<128xi32, #tpu.memory_space<vmem>>, %arg20: memref<128xi32, #tpu.memory_space<vmem>>, %arg21: memref<128x128xf32, #tpu.memory_space<vmem>>, %arg22: memref<128x128xf32, #tpu.memory_space<vmem>>, %arg23: memref<128x128xf32, #tpu.memory_space<vmem>>, %arg24: memref<128x128xf32, #tpu.memory_space<vmem>>, %arg25: memref<!tpu.dma_semaphore, #tpu.memory_space<semaphore_mem>>, %arg26: memref<!tpu.dma_semaphore, #tpu.memory_space<semaphore_mem>>, %arg27: memref<!tpu.dma_semaphore, #tpu.memory_space<semaphore_mem>>, %arg28: memref<!tpu.dma_semaphore, #tpu.memory_space<semaphore_mem>>, %arg29: memref<2048x128xf32, #tpu.memory_space<vmem_shared>>) attributes {dimension_semantics = [#tpu.dimension_semantics<core_parallel>, #tpu.dimension_semantics<subcore_parallel>], iteration_bounds = array<i64: 2, 16>, scalar_prefetch = 0 : i64, scratch_operands = 21 : i64, tpu.core_type = #tpu.core_type<sc_vector_subcore>, window_params = [{transform_indices = #map}, {transform_indices = #map}, {transform_indices = #map}, {transform_indices = #map}, {transform_indices = #map1}, {transform_indices = #map}, {transform_indices = #map1}]} {
    %mul3A = arith.constant 2 : i32
    %mul3A_0 = arith.muli %arg1, %mul3A : i32
    %add3A = arith.addi %mul3A_0, %arg0 : i32
    %mul3A_1 = arith.constant 64 : i32
    %mul3A_2 = arith.muli %add3A, %mul3A_1 : i32
    %eq3A = arith.constant 0 : i32
    %eq3A_3 = arith.cmpi eq, %arg1, %eq3A : i32
    %convert_element_type3A = arith.extui %eq3A_3 : i1 to i32
    %cond3A = arith.constant 0 : i32
    %cond3A_4 = arith.cmpi ne, %convert_element_type3A, %cond3A : i32
    scf.if %cond3A_4 {
      "tpu.region"() ({
        %run_scoped3A = tpu.sem_alloc : memref<!tpu.dma_semaphore, #tpu.memory_space<semaphore_mem>>
        tpu.enqueue_dma source(%arg6 : memref<2048x128xf32, #tpu.memory_space<hbm>>) target(%arg29 : memref<2048x128xf32, #tpu.memory_space<vmem_shared>>) target_semaphore(%run_scoped3A : memref<!tpu.dma_semaphore, #tpu.memory_space<semaphore_mem>>)
        tpu.wait_dma2 semaphore(%run_scoped3A : memref<!tpu.dma_semaphore, #tpu.memory_space<semaphore_mem>>) src(%arg6 : memref<2048x128xf32, #tpu.memory_space<hbm>>) dst(%arg29 : memref<2048x128xf32, #tpu.memory_space<vmem_shared>>)
        tpu.yield
      }) : () -> ()
    } else {
    }
    %mul3A_5 = arith.constant 128 : i32
    %mul3A_6 = arith.muli %mul3A_2, %mul3A_5 : i32
    "tpu.region"() ({
      %run_scoped3A = tpu.sem_alloc : memref<!tpu.dma_semaphore, #tpu.memory_space<semaphore_mem>>
      %dma_start3A_61 = tpu.memref_slice %arg2[%mul3A_6] : memref<262144xi32, #tpu.memory_space<hbm>> -> memref<8192xi32, #tpu.memory_space<hbm>>
      %dma_start3A_62 = tpu.memref_slice %arg2[%mul3A_6] : memref<262144xi32, #tpu.memory_space<hbm>> -> memref<8192xi32, #tpu.memory_space<hbm>>
      tpu.enqueue_dma source(%dma_start3A_62 : memref<8192xi32, #tpu.memory_space<hbm>>) target(%arg9 : memref<8192xi32, #tpu.memory_space<vmem>>) target_semaphore(%run_scoped3A : memref<!tpu.dma_semaphore, #tpu.memory_space<semaphore_mem>>)
      %dma_wait3A = tpu.memref_slice %arg2[%mul3A_6] : memref<262144xi32, #tpu.memory_space<hbm>> -> memref<8192xi32, #tpu.memory_space<hbm>>
      %dma_wait3A_63 = tpu.memref_slice %arg2[%mul3A_6] : memref<262144xi32, #tpu.memory_space<hbm>> -> memref<8192xi32, #tpu.memory_space<hbm>>
      tpu.wait_dma2 semaphore(%run_scoped3A : memref<!tpu.dma_semaphore, #tpu.memory_space<semaphore_mem>>) src(%dma_wait3A_63 : memref<8192xi32, #tpu.memory_space<hbm>>) dst(%arg9 : memref<8192xi32, #tpu.memory_space<vmem>>)
      tpu.yield
    }) : () -> ()
    "tpu.region"() ({
      %run_scoped3A = tpu.sem_alloc : memref<!tpu.dma_semaphore, #tpu.memory_space<semaphore_mem>>
      tpu.enqueue_dma source(%arg3 : memref<2048xf32, #tpu.memory_space<hbm>>) target(%arg10 : memref<2048xf32, #tpu.memory_space<vmem>>) target_semaphore(%run_scoped3A : memref<!tpu.dma_semaphore, #tpu.memory_space<semaphore_mem>>)
      tpu.wait_dma2 semaphore(%run_scoped3A : memref<!tpu.dma_semaphore, #tpu.memory_space<semaphore_mem>>) src(%arg3 : memref<2048xf32, #tpu.memory_space<hbm>>) dst(%arg10 : memref<2048xf32, #tpu.memory_space<vmem>>)
      tpu.yield
    }) : () -> ()
    "tpu.region"() ({
      %run_scoped3A = tpu.sem_alloc : memref<!tpu.dma_semaphore, #tpu.memory_space<semaphore_mem>>
      tpu.enqueue_dma source(%arg4 : memref<2048xf32, #tpu.memory_space<hbm>>) target(%arg11 : memref<2048xf32, #tpu.memory_space<vmem>>) target_semaphore(%run_scoped3A : memref<!tpu.dma_semaphore, #tpu.memory_space<semaphore_mem>>)
      tpu.wait_dma2 semaphore(%run_scoped3A : memref<!tpu.dma_semaphore, #tpu.memory_space<semaphore_mem>>) src(%arg4 : memref<2048xf32, #tpu.memory_space<hbm>>) dst(%arg11 : memref<2048xf32, #tpu.memory_space<vmem>>)
      tpu.yield
    }) : () -> ()
    "tpu.region"() ({
      %run_scoped3A = tpu.sem_alloc : memref<!tpu.dma_semaphore, #tpu.memory_space<semaphore_mem>>
      tpu.enqueue_dma source(%arg5 : memref<2048xf32, #tpu.memory_space<hbm>>) target(%arg12 : memref<2048xf32, #tpu.memory_space<vmem>>) target_semaphore(%run_scoped3A : memref<!tpu.dma_semaphore, #tpu.memory_space<semaphore_mem>>)
      tpu.wait_dma2 semaphore(%run_scoped3A : memref<!tpu.dma_semaphore, #tpu.memory_space<semaphore_mem>>) src(%arg5 : memref<2048xf32, #tpu.memory_space<hbm>>) dst(%arg12 : memref<2048xf32, #tpu.memory_space<vmem>>)
      tpu.yield
    }) : () -> ()
    %iota3A = tpu.iota {dimensions = array<i32: 0>} : vector<16xi32>
    %scan3A = arith.constant 0 : i32
    %scan3A_7 = arith.constant 0 : i32
    %scan3A_8 = arith.constant 384 : i32
    %scan3A_9 = arith.addi %scan3A_7, %scan3A_8 : i32
    %scan3A_10 = arith.constant 1 : i32
    scf.for %scan3A_61 = %scan3A_7 to %scan3A_9 step %scan3A_10  : i32 {
      %broadcast_in_dim3A = arith.constant 0 : i32
      %broadcast_in_dim3A_62 = vector.broadcast %broadcast_in_dim3A : i32 to vector<16xi32>
      %mul3A_63 = arith.constant 16 : i32
      %mul3A_64 = arith.muli %scan3A_61, %mul3A_63 : i32
      %swap3A = arith.index_cast %mul3A_64 : i32 to index
      %swap3A_65 = tpu.vector_load %arg13[%swap3A] {strides = array<i32>} : memref<6160xi32, #tpu.memory_space<vmem>>, vector<16xi32>,
      tpu.vector_store %arg13[%swap3A], %broadcast_in_dim3A_62 {strides = array<i32>} : memref<6160xi32, #tpu.memory_space<vmem>>, vector<16xi32>,
      %broadcast_in_dim3A_66 = arith.constant 1.000000e+04 : f32
      %broadcast_in_dim3A_67 = vector.broadcast %broadcast_in_dim3A_66 : f32 to vector<16xf32>
      %mul3A_68 = arith.constant 16 : i32
      %mul3A_69 = arith.muli %scan3A_61, %mul3A_68 : i32
      %swap3A_70 = arith.index_cast %mul3A_69 : i32 to index
      %swap3A_71 = tpu.vector_load %arg14[%swap3A_70] {strides = array<i32>} : memref<6160xf32, #tpu.memory_space<vmem>>, vector<16xf32>,
      tpu.vector_store %arg14[%swap3A_70], %broadcast_in_dim3A_67 {strides = array<i32>} : memref<6160xf32, #tpu.memory_space<vmem>>, vector<16xf32>,
    }
    %scan3A_11 = arith.constant 384 : i32
    %scan3A_12 = arith.constant 0 : i32
    %scan3A_13 = arith.constant 0 : i32
    %scan3A_14 = arith.constant 64 : i32
    %scan3A_15 = arith.addi %scan3A_13, %scan3A_14 : i32
    %scan3A_16 = arith.constant 1 : i32
    scf.for %scan3A_61 = %scan3A_13 to %scan3A_15 step %scan3A_16  : i32 {
      %add3A_62 = arith.addi %mul3A_2, %scan3A_61 : i32
      %broadcast_in_dim3A = vector.broadcast %add3A_62 : i32 to vector<16xi32>
      %gather3A = tpu.vector_load_idx %arg10[%broadcast_in_dim3A] : memref<2048xf32, #tpu.memory_space<vmem>>[vector<16xi32>], vector<16xf32>,
      %gather3A_63 = tpu.vector_load_idx %arg11[%broadcast_in_dim3A] : memref<2048xf32, #tpu.memory_space<vmem>>[vector<16xi32>], vector<16xf32>,
      %gather3A_64 = tpu.vector_load_idx %arg12[%broadcast_in_dim3A] : memref<2048xf32, #tpu.memory_space<vmem>>[vector<16xi32>], vector<16xf32>,
      %scan3A_65 = arith.constant 0 : i32
      %scan3A_66 = arith.constant 0 : i32
      %scan3A_67 = arith.constant 8 : i32
      %scan3A_68 = arith.addi %scan3A_66, %scan3A_67 : i32
      %scan3A_69 = arith.constant 1 : i32
      %scan3A_70 = scf.for %scan3A_83 = %scan3A_66 to %scan3A_68 step %scan3A_69 iter_args(%scan3A_84 = %scan3A_65) -> (i32)  : i32 {
        %mul3A_85 = arith.constant 128 : i32
        %mul3A_86 = arith.muli %scan3A_61, %mul3A_85 : i32
        %mul3A_87 = arith.constant 16 : i32
        %mul3A_88 = arith.muli %scan3A_83, %mul3A_87 : i32
        %add3A_89 = arith.addi %mul3A_86, %mul3A_88 : i32
        %get3A = arith.index_cast %add3A_89 : i32 to index
        %get3A_90 = tpu.vector_load %arg9[%get3A] {strides = array<i32>} : memref<8192xi32, #tpu.memory_space<vmem>>, vector<16xi32>,
        %ne3A = arith.constant 0 : i32
        %ne3A_91 = vector.broadcast %ne3A : i32 to vector<16xi32>
        %ne3A_92 = arith.cmpi ne, %get3A_90, %ne3A_91 : vector<16xi32>
        %mul3A_93 = arith.constant 16 : i32
        %mul3A_94 = arith.muli %scan3A_83, %mul3A_93 : i32
        %add3A_95 = vector.broadcast %mul3A_94 : i32 to vector<16xi32>
        %add3A_96 = arith.addi %add3A_95, %iota3A : vector<16xi32>
        %swap3A = arith.index_cast %scan3A_84 : i32 to index
        %swap3A_97 = tpu.vector_load %arg15[%swap3A] masked %ne3A_92 {strides = array<i32>} : memref<144xi32, #tpu.memory_space<vmem>>, vector<16xi32>, vector<16xi1>
        tpu.vector_store %arg15[%swap3A], %add3A_96 masked %ne3A_92 {strides = array<i32>} : memref<144xi32, #tpu.memory_space<vmem>>, vector<16xi32>, vector<16xi1>
        %swap3A_98 = arith.index_cast %scan3A_84 : i32 to index
        %swap3A_99 = tpu.vector_load %arg16[%swap3A_98] masked %ne3A_92 {strides = array<i32>} : memref<144xi32, #tpu.memory_space<vmem>>, vector<16xi32>, vector<16xi1>
        tpu.vector_store %arg16[%swap3A_98], %get3A_90 masked %ne3A_92 {strides = array<i32>} : memref<144xi32, #tpu.memory_space<vmem>>, vector<16xi32>, vector<16xi1>
        %convert_element_type3A_100 = arith.extui %ne3A_92 : vector<16xi1> to vector<16xi32>
        %reduce_sum3A = arith.constant true
        %reduce_sum3A_101 = vector.broadcast %reduce_sum3A : i1 to vector<16xi1>
        %reduce_sum3A_102 = tpu.scan <sum>, %convert_element_type3A_100 masked %reduce_sum3A_101 : vector<16xi32>, vector<16xi1> -> vector<16xi32>
        %reduce_sum3A_103 = vector.extract %reduce_sum3A_102[15] : i32 from vector<16xi32>
        %add3A_104 = arith.addi %scan3A_84, %reduce_sum3A_103 : i32
        scf.yield %add3A_104 : i32
      }
      %scan3A_71 = arith.constant 8 : i32
      %while3A = arith.constant 0 : i32
      %while3A_72 = arith.constant 0 : i32
      %while3A_73 = arith.subi %scan3A_70, %while3A : i32
      %while3A_74 = arith.addi %while3A, %while3A_73 : i32
      %while3A_75 = arith.constant 1 : i32
      %while3A_76 = arith.divsi %while3A_73, %while3A_75 : i32
      %while3A_77 = arith.muli %while3A_76, %while3A_75 : i32
      %while3A_78 = arith.addi %while3A, %while3A_77 : i32
      %while3A_79 = arith.constant 1 : i32
      %while3A_80 = scf.for %while3A_83 = %while3A to %while3A_78 step %while3A_79 iter_args(%while3A_84 = %while3A_72) -> (i32)  : i32 {
        %broadcast_in_dim3A_85 = vector.broadcast %while3A_83 : i32 to vector<16xi32>
        %gather3A_86 = tpu.vector_load_idx %arg15[%broadcast_in_dim3A_85] : memref<144xi32, #tpu.memory_space<vmem>>[vector<16xi32>], vector<16xi32>,
        %gather3A_87 = tpu.vector_load_idx %arg16[%broadcast_in_dim3A_85] : memref<144xi32, #tpu.memory_space<vmem>>[vector<16xi32>], vector<16xi32>,
        %shift_right_logical3A = arith.shrui %gather3A_87, %iota3A : vector<16xi32>
        %and3A = arith.constant 1 : i32
        %and3A_88 = vector.broadcast %and3A : i32 to vector<16xi32>
        %and3A_89 = arith.andi %shift_right_logical3A, %and3A_88 : vector<16xi32>
        %eq3A_90 = arith.constant 1 : i32
        %eq3A_91 = vector.broadcast %eq3A_90 : i32 to vector<16xi32>
        %eq3A_92 = arith.cmpi eq, %and3A_89, %eq3A_91 : vector<16xi32>
        %mul3A_93 = arith.constant 16 : i32
        %mul3A_94 = vector.broadcast %mul3A_93 : i32 to vector<16xi32>
        %mul3A_95 = arith.muli %gather3A_86, %mul3A_94 : vector<16xi32>
        %add3A_96 = arith.addi %mul3A_95, %iota3A : vector<16xi32>
        %gather3A_97 = tpu.vector_load_idx %arg10[%add3A_96] : memref<2048xf32, #tpu.memory_space<vmem>>[vector<16xi32>], vector<16xf32>,
        %gather3A_98 = tpu.vector_load_idx %arg11[%add3A_96] : memref<2048xf32, #tpu.memory_space<vmem>>[vector<16xi32>], vector<16xf32>,
        %gather3A_99 = tpu.vector_load_idx %arg12[%add3A_96] : memref<2048xf32, #tpu.memory_space<vmem>>[vector<16xi32>], vector<16xf32>,
        %sub3A = arith.subf %gather3A_97, %gather3A : vector<16xf32>
        %lt3A = arith.constant -1.500000e+01 : f32
        %lt3A_100 = vector.broadcast %lt3A : f32 to vector<16xf32>
        %lt3A_101 = arith.cmpf olt, %sub3A, %lt3A_100 : vector<16xf32>
        %convert_element_type3A_102 = arith.extui %lt3A_101 : vector<16xi1> to vector<16xi32>
        %convert_element_type3A_103 = arith.sitofp %convert_element_type3A_102 : vector<16xi32> to vector<16xf32>
        %ge3A = arith.constant 1.500000e+01 : f32
        %ge3A_104 = vector.broadcast %ge3A : f32 to vector<16xf32>
        %ge3A_105 = arith.cmpf oge, %sub3A, %ge3A_104 : vector<16xf32>
        %convert_element_type3A_106 = arith.extui %ge3A_105 : vector<16xi1> to vector<16xi32>
        %convert_element_type3A_107 = arith.sitofp %convert_element_type3A_106 : vector<16xi32> to vector<16xf32>
        %sub3A_108 = arith.subf %convert_element_type3A_103, %convert_element_type3A_107 : vector<16xf32>
        %mul3A_109 = arith.constant 3.000000e+01 : f32
        %mul3A_110 = vector.broadcast %mul3A_109 : f32 to vector<16xf32>
        %mul3A_111 = arith.mulf %sub3A_108, %mul3A_110 : vector<16xf32>
        %add3A_112 = arith.addf %sub3A, %mul3A_111 : vector<16xf32>
        %sub3A_113 = arith.subf %gather3A_98, %gather3A_63 : vector<16xf32>
        %lt3A_114 = arith.constant -1.500000e+01 : f32
        %lt3A_115 = vector.broadcast %lt3A_114 : f32 to vector<16xf32>
        %lt3A_116 = arith.cmpf olt, %sub3A_113, %lt3A_115 : vector<16xf32>
        %convert_element_type3A_117 = arith.extui %lt3A_116 : vector<16xi1> to vector<16xi32>
        %convert_element_type3A_118 = arith.sitofp %convert_element_type3A_117 : vector<16xi32> to vector<16xf32>
        %ge3A_119 = arith.constant 1.500000e+01 : f32
        %ge3A_120 = vector.broadcast %ge3A_119 : f32 to vector<16xf32>
        %ge3A_121 = arith.cmpf oge, %sub3A_113, %ge3A_120 : vector<16xf32>
        %convert_element_type3A_122 = arith.extui %ge3A_121 : vector<16xi1> to vector<16xi32>
        %convert_element_type3A_123 = arith.sitofp %convert_element_type3A_122 : vector<16xi32> to vector<16xf32>
        %sub3A_124 = arith.subf %convert_element_type3A_118, %convert_element_type3A_123 : vector<16xf32>
        %mul3A_125 = arith.constant 3.000000e+01 : f32
        %mul3A_126 = vector.broadcast %mul3A_125 : f32 to vector<16xf32>
        %mul3A_127 = arith.mulf %sub3A_124, %mul3A_126 : vector<16xf32>
        %add3A_128 = arith.addf %sub3A_113, %mul3A_127 : vector<16xf32>
        %sub3A_129 = arith.subf %gather3A_99, %gather3A_64 : vector<16xf32>
        %lt3A_130 = arith.constant -1.500000e+01 : f32
        %lt3A_131 = vector.broadcast %lt3A_130 : f32 to vector<16xf32>
        %lt3A_132 = arith.cmpf olt, %sub3A_129, %lt3A_131 : vector<16xf32>
        %convert_element_type3A_133 = arith.extui %lt3A_132 : vector<16xi1> to vector<16xi32>
        %convert_element_type3A_134 = arith.sitofp %convert_element_type3A_133 : vector<16xi32> to vector<16xf32>
        %ge3A_135 = arith.constant 1.500000e+01 : f32
        %ge3A_136 = vector.broadcast %ge3A_135 : f32 to vector<16xf32>
        %ge3A_137 = arith.cmpf oge, %sub3A_129, %ge3A_136 : vector<16xf32>
        %convert_element_type3A_138 = arith.extui %ge3A_137 : vector<16xi1> to vector<16xi32>
        %convert_element_type3A_139 = arith.sitofp %convert_element_type3A_138 : vector<16xi32> to vector<16xf32>
        %sub3A_140 = arith.subf %convert_element_type3A_134, %convert_element_type3A_139 : vector<16xf32>
        %mul3A_141 = arith.constant 3.000000e+01 : f32
        %mul3A_142 = vector.broadcast %mul3A_141 : f32 to vector<16xf32>
        %mul3A_143 = arith.mulf %sub3A_140, %mul3A_142 : vector<16xf32>
        %add3A_144 = arith.addf %sub3A_129, %mul3A_143 : vector<16xf32>
        %mul3A_145 = arith.mulf %add3A_112, %add3A_112 : vector<16xf32>
        %mul3A_146 = arith.mulf %add3A_128, %add3A_128 : vector<16xf32>
        %add3A_147 = arith.addf %mul3A_145, %mul3A_146 : vector<16xf32>
        %mul3A_148 = arith.mulf %add3A_144, %add3A_144 : vector<16xf32>
        %add3A_149 = arith.addf %add3A_147, %mul3A_148 : vector<16xf32>
        %mul3A_150 = arith.constant 96 : i32
        %mul3A_151 = arith.muli %scan3A_61, %mul3A_150 : i32
        %add3A_152 = arith.addi %mul3A_151, %while3A_84 : i32
        %swap3A = arith.index_cast %add3A_152 : i32 to index
        %swap3A_153 = tpu.vector_load %arg13[%swap3A] masked %eq3A_92 {strides = array<i32>} : memref<6160xi32, #tpu.memory_space<vmem>>, vector<16xi32>, vector<16xi1>
        tpu.vector_store %arg13[%swap3A], %add3A_96 masked %eq3A_92 {strides = array<i32>} : memref<6160xi32, #tpu.memory_space<vmem>>, vector<16xi32>, vector<16xi1>
        %swap3A_154 = arith.index_cast %add3A_152 : i32 to index
        %swap3A_155 = tpu.vector_load %arg14[%swap3A_154] masked %eq3A_92 {strides = array<i32>} : memref<6160xf32, #tpu.memory_space<vmem>>, vector<16xf32>, vector<16xi1>
        tpu.vector_store %arg14[%swap3A_154], %add3A_149 masked %eq3A_92 {strides = array<i32>} : memref<6160xf32, #tpu.memory_space<vmem>>, vector<16xf32>, vector<16xi1>
        %convert_element_type3A_156 = arith.extui %eq3A_92 : vector<16xi1> to vector<16xi32>
        %reduce_sum3A = arith.constant true
        %reduce_sum3A_157 = vector.broadcast %reduce_sum3A : i1 to vector<16xi1>
        %reduce_sum3A_158 = tpu.scan <sum>, %convert_element_type3A_156 masked %reduce_sum3A_157 : vector<16xi32>, vector<16xi1> -> vector<16xi32>
        %reduce_sum3A_159 = vector.extract %reduce_sum3A_158[15] : i32 from vector<16xi32>
        %add3A_160 = arith.addi %while3A_84, %reduce_sum3A_159 : i32
        scf.yield %add3A_160 : i32
      }
      %while3A_81 = arith.constant 1 : i32
      %while3A_82 = scf.for %while3A_83 = %while3A_78 to %while3A_74 step %while3A_81 iter_args(%while3A_84 = %while3A_80) -> (i32)  : i32 {
        %broadcast_in_dim3A_85 = vector.broadcast %while3A_83 : i32 to vector<16xi32>
        %gather3A_86 = tpu.vector_load_idx %arg15[%broadcast_in_dim3A_85] : memref<144xi32, #tpu.memory_space<vmem>>[vector<16xi32>], vector<16xi32>,
        %gather3A_87 = tpu.vector_load_idx %arg16[%broadcast_in_dim3A_85] : memref<144xi32, #tpu.memory_space<vmem>>[vector<16xi32>], vector<16xi32>,
        %shift_right_logical3A = arith.shrui %gather3A_87, %iota3A : vector<16xi32>
        %and3A = arith.constant 1 : i32
        %and3A_88 = vector.broadcast %and3A : i32 to vector<16xi32>
        %and3A_89 = arith.andi %shift_right_logical3A, %and3A_88 : vector<16xi32>
        %eq3A_90 = arith.constant 1 : i32
        %eq3A_91 = vector.broadcast %eq3A_90 : i32 to vector<16xi32>
        %eq3A_92 = arith.cmpi eq, %and3A_89, %eq3A_91 : vector<16xi32>
        %mul3A_93 = arith.constant 16 : i32
        %mul3A_94 = vector.broadcast %mul3A_93 : i32 to vector<16xi32>
        %mul3A_95 = arith.muli %gather3A_86, %mul3A_94 : vector<16xi32>
        %add3A_96 = arith.addi %mul3A_95, %iota3A : vector<16xi32>
        %gather3A_97 = tpu.vector_load_idx %arg10[%add3A_96] : memref<2048xf32, #tpu.memory_space<vmem>>[vector<16xi32>], vector<16xf32>,
        %gather3A_98 = tpu.vector_load_idx %arg11[%add3A_96] : memref<2048xf32, #tpu.memory_space<vmem>>[vector<16xi32>], vector<16xf32>,
        %gather3A_99 = tpu.vector_load_idx %arg12[%add3A_96] : memref<2048xf32, #tpu.memory_space<vmem>>[vector<16xi32>], vector<16xf32>,
        %sub3A = arith.subf %gather3A_97, %gather3A : vector<16xf32>
        %lt3A = arith.constant -1.500000e+01 : f32
        %lt3A_100 = vector.broadcast %lt3A : f32 to vector<16xf32>
        %lt3A_101 = arith.cmpf olt, %sub3A, %lt3A_100 : vector<16xf32>
        %convert_element_type3A_102 = arith.extui %lt3A_101 : vector<16xi1> to vector<16xi32>
        %convert_element_type3A_103 = arith.sitofp %convert_element_type3A_102 : vector<16xi32> to vector<16xf32>
        %ge3A = arith.constant 1.500000e+01 : f32
        %ge3A_104 = vector.broadcast %ge3A : f32 to vector<16xf32>
        %ge3A_105 = arith.cmpf oge, %sub3A, %ge3A_104 : vector<16xf32>
        %convert_element_type3A_106 = arith.extui %ge3A_105 : vector<16xi1> to vector<16xi32>
        %convert_element_type3A_107 = arith.sitofp %convert_element_type3A_106 : vector<16xi32> to vector<16xf32>
        %sub3A_108 = arith.subf %convert_element_type3A_103, %convert_element_type3A_107 : vector<16xf32>
        %mul3A_109 = arith.constant 3.000000e+01 : f32
        %mul3A_110 = vector.broadcast %mul3A_109 : f32 to vector<16xf32>
        %mul3A_111 = arith.mulf %sub3A_108, %mul3A_110 : vector<16xf32>
        %add3A_112 = arith.addf %sub3A, %mul3A_111 : vector<16xf32>
        %sub3A_113 = arith.subf %gather3A_98, %gather3A_63 : vector<16xf32>
        %lt3A_114 = arith.constant -1.500000e+01 : f32
        %lt3A_115 = vector.broadcast %lt3A_114 : f32 to vector<16xf32>
        %lt3A_116 = arith.cmpf olt, %sub3A_113, %lt3A_115 : vector<16xf32>
        %convert_element_type3A_117 = arith.extui %lt3A_116 : vector<16xi1> to vector<16xi32>
        %convert_element_type3A_118 = arith.sitofp %convert_element_type3A_117 : vector<16xi32> to vector<16xf32>
        %ge3A_119 = arith.constant 1.500000e+01 : f32
        %ge3A_120 = vector.broadcast %ge3A_119 : f32 to vector<16xf32>
        %ge3A_121 = arith.cmpf oge, %sub3A_113, %ge3A_120 : vector<16xf32>
        %convert_element_type3A_122 = arith.extui %ge3A_121 : vector<16xi1> to vector<16xi32>
        %convert_element_type3A_123 = arith.sitofp %convert_element_type3A_122 : vector<16xi32> to vector<16xf32>
        %sub3A_124 = arith.subf %convert_element_type3A_118, %convert_element_type3A_123 : vector<16xf32>
        %mul3A_125 = arith.constant 3.000000e+01 : f32
        %mul3A_126 = vector.broadcast %mul3A_125 : f32 to vector<16xf32>
        %mul3A_127 = arith.mulf %sub3A_124, %mul3A_126 : vector<16xf32>
        %add3A_128 = arith.addf %sub3A_113, %mul3A_127 : vector<16xf32>
        %sub3A_129 = arith.subf %gather3A_99, %gather3A_64 : vector<16xf32>
        %lt3A_130 = arith.constant -1.500000e+01 : f32
        %lt3A_131 = vector.broadcast %lt3A_130 : f32 to vector<16xf32>
        %lt3A_132 = arith.cmpf olt, %sub3A_129, %lt3A_131 : vector<16xf32>
        %convert_element_type3A_133 = arith.extui %lt3A_132 : vector<16xi1> to vector<16xi32>
        %convert_element_type3A_134 = arith.sitofp %convert_element_type3A_133 : vector<16xi32> to vector<16xf32>
        %ge3A_135 = arith.constant 1.500000e+01 : f32
        %ge3A_136 = vector.broadcast %ge3A_135 : f32 to vector<16xf32>
        %ge3A_137 = arith.cmpf oge, %sub3A_129, %ge3A_136 : vector<16xf32>
        %convert_element_type3A_138 = arith.extui %ge3A_137 : vector<16xi1> to vector<16xi32>
        %convert_element_type3A_139 = arith.sitofp %convert_element_type3A_138 : vector<16xi32> to vector<16xf32>
        %sub3A_140 = arith.subf %convert_element_type3A_134, %convert_element_type3A_139 : vector<16xf32>
        %mul3A_141 = arith.constant 3.000000e+01 : f32
        %mul3A_142 = vector.broadcast %mul3A_141 : f32 to vector<16xf32>
        %mul3A_143 = arith.mulf %sub3A_140, %mul3A_142 : vector<16xf32>
        %add3A_144 = arith.addf %sub3A_129, %mul3A_143 : vector<16xf32>
        %mul3A_145 = arith.mulf %add3A_112, %add3A_112 : vector<16xf32>
        %mul3A_146 = arith.mulf %add3A_128, %add3A_128 : vector<16xf32>
        %add3A_147 = arith.addf %mul3A_145, %mul3A_146 : vector<16xf32>
        %mul3A_148 = arith.mulf %add3A_144, %add3A_144 : vector<16xf32>
        %add3A_149 = arith.addf %add3A_147, %mul3A_148 : vector<16xf32>
        %mul3A_150 = arith.constant 96 : i32
        %mul3A_151 = arith.muli %scan3A_61, %mul3A_150 : i32
        %add3A_152 = arith.addi %mul3A_151, %while3A_84 : i32
        %swap3A = arith.index_cast %add3A_152 : i32 to index
        %swap3A_153 = tpu.vector_load %arg13[%swap3A] masked %eq3A_92 {strides = array<i32>} : memref<6160xi32, #tpu.memory_space<vmem>>, vector<16xi32>, vector<16xi1>
        tpu.vector_store %arg13[%swap3A], %add3A_96 masked %eq3A_92 {strides = array<i32>} : memref<6160xi32, #tpu.memory_space<vmem>>, vector<16xi32>, vector<16xi1>
        %swap3A_154 = arith.index_cast %add3A_152 : i32 to index
        %swap3A_155 = tpu.vector_load %arg14[%swap3A_154] masked %eq3A_92 {strides = array<i32>} : memref<6160xf32, #tpu.memory_space<vmem>>, vector<16xf32>, vector<16xi1>
        tpu.vector_store %arg14[%swap3A_154], %add3A_149 masked %eq3A_92 {strides = array<i32>} : memref<6160xf32, #tpu.memory_space<vmem>>, vector<16xf32>, vector<16xi1>
        %convert_element_type3A_156 = arith.extui %eq3A_92 : vector<16xi1> to vector<16xi32>
        %reduce_sum3A = arith.constant true
        %reduce_sum3A_157 = vector.broadcast %reduce_sum3A : i1 to vector<16xi1>
        %reduce_sum3A_158 = tpu.scan <sum>, %convert_element_type3A_156 masked %reduce_sum3A_157 : vector<16xi32>, vector<16xi1> -> vector<16xi32>
        %reduce_sum3A_159 = vector.extract %reduce_sum3A_158[15] : i32 from vector<16xi32>
        %add3A_160 = arith.addi %while3A_84, %reduce_sum3A_159 : i32
        scf.yield %add3A_160 : i32
      }
    }
    %scan3A_17 = arith.constant 64 : i32
    %mul3A_18 = arith.constant 96 : i32
    %mul3A_19 = arith.muli %mul3A_2, %mul3A_18 : i32
    "tpu.region"() ({
      %run_scoped3A = tpu.sem_alloc : memref<!tpu.dma_semaphore, #tpu.memory_space<semaphore_mem>>
      %dma_start3A_61 = arith.constant 0 : i32
      %dma_start3A_62 = tpu.memref_slice %arg14[%dma_start3A_61] : memref<6160xf32, #tpu.memory_space<vmem>> -> memref<6144xf32, #tpu.memory_space<vmem>>
      %dma_start3A_63 = tpu.memref_slice %arg7[%mul3A_19] : memref<196608xf32, #tpu.memory_space<hbm>> -> memref<6144xf32, #tpu.memory_space<hbm>>
      %dma_start3A_64 = tpu.memref_slice %arg7[%mul3A_19] : memref<196608xf32, #tpu.memory_space<hbm>> -> memref<6144xf32, #tpu.memory_space<hbm>>
      %dma_start3A_65 = arith.constant 0 : i32
      %dma_start3A_66 = tpu.memref_slice %arg14[%dma_start3A_65] : memref<6160xf32, #tpu.memory_space<vmem>> -> memref<6144xf32, #tpu.memory_space<vmem>>
      tpu.enqueue_dma source(%dma_start3A_66 : memref<6144xf32, #tpu.memory_space<vmem>>) target(%dma_start3A_64 : memref<6144xf32, #tpu.memory_space<hbm>>) target_semaphore(%run_scoped3A : memref<!tpu.dma_semaphore, #tpu.memory_space<semaphore_mem>>)
      %dma_wait3A = arith.constant 0 : i32
      %dma_wait3A_67 = tpu.memref_slice %arg14[%dma_wait3A] : memref<6160xf32, #tpu.memory_space<vmem>> -> memref<6144xf32, #tpu.memory_space<vmem>>
      %dma_wait3A_68 = tpu.memref_slice %arg7[%mul3A_19] : memref<196608xf32, #tpu.memory_space<hbm>> -> memref<6144xf32, #tpu.memory_space<hbm>>
      %dma_wait3A_69 = tpu.memref_slice %arg7[%mul3A_19] : memref<196608xf32, #tpu.memory_space<hbm>> -> memref<6144xf32, #tpu.memory_space<hbm>>
      %dma_wait3A_70 = arith.constant 0 : i32
      %dma_wait3A_71 = tpu.memref_slice %arg14[%dma_wait3A_70] : memref<6160xf32, #tpu.memory_space<vmem>> -> memref<6144xf32, #tpu.memory_space<vmem>>
      tpu.wait_dma2 semaphore(%run_scoped3A : memref<!tpu.dma_semaphore, #tpu.memory_space<semaphore_mem>>) src(%dma_wait3A_71 : memref<6144xf32, #tpu.memory_space<vmem>>) dst(%dma_wait3A_69 : memref<6144xf32, #tpu.memory_space<hbm>>)
      tpu.yield
    }) : () -> ()
    %barrier3A = arith.constant 0 : index
    tpu.barrier barrier_id(%barrier3A)
    %scan3A_20 = arith.constant 0 : i32
    %scan3A_21 = arith.constant 0 : i32
    %scan3A_22 = arith.constant 8 : i32
    %scan3A_23 = arith.addi %scan3A_21, %scan3A_22 : i32
    %scan3A_24 = arith.constant 1 : i32
    scf.for %scan3A_61 = %scan3A_21 to %scan3A_23 step %scan3A_24  : i32 {
      %mul3A_62 = arith.constant 16 : i32
      %mul3A_63 = arith.muli %scan3A_61, %mul3A_62 : i32
      %add3A_64 = arith.constant 0 : i32
      %add3A_65 = arith.addi %add3A_64, %mul3A_63 : i32
      %get3A = arith.index_cast %add3A_65 : i32 to index
      %get3A_66 = tpu.vector_load %arg13[%get3A] {strides = array<i32>} : memref<6160xi32, #tpu.memory_space<vmem>>, vector<16xi32>,
      %mul3A_67 = arith.constant 16 : i32
      %mul3A_68 = arith.muli %scan3A_61, %mul3A_67 : i32
      %swap3A = arith.index_cast %mul3A_68 : i32 to index
      %swap3A_69 = tpu.vector_load %arg17[%swap3A] {strides = array<i32>} : memref<128xi32, #tpu.memory_space<vmem>>, vector<16xi32>,
      tpu.vector_store %arg17[%swap3A], %get3A_66 {strides = array<i32>} : memref<128xi32, #tpu.memory_space<vmem>>, vector<16xi32>,
    }
    %scan3A_25 = arith.constant 8 : i32
    %dma_start3A = arith.constant 0 : i32
    %dma_start3A_26 = arith.constant 0 : i32
    %dma_start3A_27 = tpu.memref_slice %arg29[%dma_start3A, %dma_start3A_26] : memref<2048x128xf32, #tpu.memory_space<vmem_shared>> -> memref<2048x128xf32, #tpu.memory_space<vmem_shared>>
    tpu.enqueue_indirect_dma source(%dma_start3A_27 : memref<2048x128xf32, #tpu.memory_space<vmem_shared>>) target(%arg21 : memref<128x128xf32, #tpu.memory_space<vmem>>) offsets(%arg17 : memref<128xi32, #tpu.memory_space<vmem>>) semaphore(%arg25 : memref<!tpu.dma_semaphore, #tpu.memory_space<semaphore_mem>>)
    %scan3A_28 = arith.constant 0 : i32
    %scan3A_29 = arith.constant 0 : i32
    %scan3A_30 = arith.constant 8 : i32
    %scan3A_31 = arith.addi %scan3A_29, %scan3A_30 : i32
    %scan3A_32 = arith.constant 1 : i32
    scf.for %scan3A_61 = %scan3A_29 to %scan3A_31 step %scan3A_32  : i32 {
      %mul3A_62 = arith.constant 16 : i32
      %mul3A_63 = arith.muli %scan3A_61, %mul3A_62 : i32
      %add3A_64 = arith.constant 128 : i32
      %add3A_65 = arith.addi %add3A_64, %mul3A_63 : i32
      %get3A = arith.index_cast %add3A_65 : i32 to index
      %get3A_66 = tpu.vector_load %arg13[%get3A] {strides = array<i32>} : memref<6160xi32, #tpu.memory_space<vmem>>, vector<16xi32>,
      %mul3A_67 = arith.constant 16 : i32
      %mul3A_68 = arith.muli %scan3A_61, %mul3A_67 : i32
      %swap3A = arith.index_cast %mul3A_68 : i32 to index
      %swap3A_69 = tpu.vector_load %arg18[%swap3A] {strides = array<i32>} : memref<128xi32, #tpu.memory_space<vmem>>, vector<16xi32>,
      tpu.vector_store %arg18[%swap3A], %get3A_66 {strides = array<i32>} : memref<128xi32, #tpu.memory_space<vmem>>, vector<16xi32>,
    }
    %scan3A_33 = arith.constant 8 : i32
    %dma_start3A_34 = arith.constant 0 : i32
    %dma_start3A_35 = arith.constant 0 : i32
    %dma_start3A_36 = tpu.memref_slice %arg29[%dma_start3A_34, %dma_start3A_35] : memref<2048x128xf32, #tpu.memory_space<vmem_shared>> -> memref<2048x128xf32, #tpu.memory_space<vmem_shared>>
    tpu.enqueue_indirect_dma source(%dma_start3A_36 : memref<2048x128xf32, #tpu.memory_space<vmem_shared>>) target(%arg22 : memref<128x128xf32, #tpu.memory_space<vmem>>) offsets(%arg18 : memref<128xi32, #tpu.memory_space<vmem>>) semaphore(%arg26 : memref<!tpu.dma_semaphore, #tpu.memory_space<semaphore_mem>>)
    %scan3A_37 = arith.constant 0 : i32
    %scan3A_38 = arith.constant 0 : i32
    %scan3A_39 = arith.constant 8 : i32
    %scan3A_40 = arith.addi %scan3A_38, %scan3A_39 : i32
    %scan3A_41 = arith.constant 1 : i32
    scf.for %scan3A_61 = %scan3A_38 to %scan3A_40 step %scan3A_41  : i32 {
      %mul3A_62 = arith.constant 16 : i32
      %mul3A_63 = arith.muli %scan3A_61, %mul3A_62 : i32
      %add3A_64 = arith.constant 256 : i32
      %add3A_65 = arith.addi %add3A_64, %mul3A_63 : i32
      %get3A = arith.index_cast %add3A_65 : i32 to index
      %get3A_66 = tpu.vector_load %arg13[%get3A] {strides = array<i32>} : memref<6160xi32, #tpu.memory_space<vmem>>, vector<16xi32>,
      %mul3A_67 = arith.constant 16 : i32
      %mul3A_68 = arith.muli %scan3A_61, %mul3A_67 : i32
      %swap3A = arith.index_cast %mul3A_68 : i32 to index
      %swap3A_69 = tpu.vector_load %arg19[%swap3A] {strides = array<i32>} : memref<128xi32, #tpu.memory_space<vmem>>, vector<16xi32>,
      tpu.vector_store %arg19[%swap3A], %get3A_66 {strides = array<i32>} : memref<128xi32, #tpu.memory_space<vmem>>, vector<16xi32>,
    }
    %scan3A_42 = arith.constant 8 : i32
    %dma_start3A_43 = arith.constant 0 : i32
    %dma_start3A_44 = arith.constant 0 : i32
    %dma_start3A_45 = tpu.memref_slice %arg29[%dma_start3A_43, %dma_start3A_44] : memref<2048x128xf32, #tpu.memory_space<vmem_shared>> -> memref<2048x128xf32, #tpu.memory_space<vmem_shared>>
    tpu.enqueue_indirect_dma source(%dma_start3A_45 : memref<2048x128xf32, #tpu.memory_space<vmem_shared>>) target(%arg23 : memref<128x128xf32, #tpu.memory_space<vmem>>) offsets(%arg19 : memref<128xi32, #tpu.memory_space<vmem>>) semaphore(%arg27 : memref<!tpu.dma_semaphore, #tpu.memory_space<semaphore_mem>>)
    %scan3A_46 = arith.constant 0 : i32
    %scan3A_47 = arith.constant 0 : i32
    %scan3A_48 = arith.constant 8 : i32
    %scan3A_49 = arith.addi %scan3A_47, %scan3A_48 : i32
    %scan3A_50 = arith.constant 1 : i32
    scf.for %scan3A_61 = %scan3A_47 to %scan3A_49 step %scan3A_50  : i32 {
      %mul3A_62 = arith.constant 16 : i32
      %mul3A_63 = arith.muli %scan3A_61, %mul3A_62 : i32
      %add3A_64 = arith.constant 384 : i32
      %add3A_65 = arith.addi %add3A_64, %mul3A_63 : i32
      %get3A = arith.index_cast %add3A_65 : i32 to index
      %get3A_66 = tpu.vector_load %arg13[%get3A] {strides = array<i32>} : memref<6160xi32, #tpu.memory_space<vmem>>, vector<16xi32>,
      %mul3A_67 = arith.constant 16 : i32
      %mul3A_68 = arith.muli %scan3A_61, %mul3A_67 : i32
      %swap3A = arith.index_cast %mul3A_68 : i32 to index
      %swap3A_69 = tpu.vector_load %arg20[%swap3A] {strides = array<i32>} : memref<128xi32, #tpu.memory_space<vmem>>, vector<16xi32>,
      tpu.vector_store %arg20[%swap3A], %get3A_66 {strides = array<i32>} : memref<128xi32, #tpu.memory_space<vmem>>, vector<16xi32>,
    }
    %scan3A_51 = arith.constant 8 : i32
    %dma_start3A_52 = arith.constant 0 : i32
    %dma_start3A_53 = arith.constant 0 : i32
    %dma_start3A_54 = tpu.memref_slice %arg29[%dma_start3A_52, %dma_start3A_53] : memref<2048x128xf32, #tpu.memory_space<vmem_shared>> -> memref<2048x128xf32, #tpu.memory_space<vmem_shared>>
    tpu.enqueue_indirect_dma source(%dma_start3A_54 : memref<2048x128xf32, #tpu.memory_space<vmem_shared>>) target(%arg24 : memref<128x128xf32, #tpu.memory_space<vmem>>) offsets(%arg20 : memref<128xi32, #tpu.memory_space<vmem>>) semaphore(%arg28 : memref<!tpu.dma_semaphore, #tpu.memory_space<semaphore_mem>>)
    %scan3A_55 = arith.constant 0 : i32
    %scan3A_56 = arith.constant 0 : i32
    %scan3A_57 = arith.constant 12 : i32
    %scan3A_58 = arith.addi %scan3A_56, %scan3A_57 : i32
    %scan3A_59 = arith.constant 1 : i32
    scf.for %scan3A_61 = %scan3A_56 to %scan3A_58 step %scan3A_59  : i32 {
      %mul3A_62 = arith.constant 4 : i32
      %mul3A_63 = arith.muli %scan3A_61, %mul3A_62 : i32
      %add3A_64 = arith.constant 0 : i32
      %add3A_65 = arith.addi %mul3A_63, %add3A_64 : i32
      %dma_wait3A = arith.constant 0 : i32
      %dma_wait3A_66 = arith.constant 0 : i32
      %dma_wait3A_67 = tpu.memref_slice %arg29[%dma_wait3A, %dma_wait3A_66] : memref<2048x128xf32, #tpu.memory_space<vmem_shared>> -> memref<2048x128xf32, #tpu.memory_space<vmem_shared>>
      tpu.wait_indirect_dma semaphore(%arg25 : memref<!tpu.dma_semaphore, #tpu.memory_space<semaphore_mem>>) src(%dma_wait3A_67 : memref<2048x128xf32, #tpu.memory_space<vmem_shared>>) dst(%arg21 : memref<128x128xf32, #tpu.memory_space<vmem>>)
      %mul3A_68 = arith.constant 96 : i32
      %mul3A_69 = arith.muli %mul3A_2, %mul3A_68 : i32
      %mul3A_70 = arith.constant 128 : i32
      %mul3A_71 = arith.muli %add3A_65, %mul3A_70 : i32
      %add3A_72 = arith.addi %mul3A_69, %mul3A_71 : i32
      "tpu.region"() ({
        %run_scoped3A = tpu.sem_alloc : memref<!tpu.dma_semaphore, #tpu.memory_space<semaphore_mem>>
        %dma_start3A_136 = arith.constant 0 : i32
        %dma_start3A_137 = tpu.memref_slice %arg8[%add3A_72, %dma_start3A_136] : memref<196608x128xf32, #tpu.memory_space<hbm>> -> memref<128x128xf32, #tpu.memory_space<hbm>>
        %dma_start3A_138 = arith.constant 0 : i32
        %dma_start3A_139 = tpu.memref_slice %arg8[%add3A_72, %dma_start3A_138] : memref<196608x128xf32, #tpu.memory_space<hbm>> -> memref<128x128xf32, #tpu.memory_space<hbm>>
        tpu.enqueue_dma source(%arg21 : memref<128x128xf32, #tpu.memory_space<vmem>>) target(%dma_start3A_139 : memref<128x128xf32, #tpu.memory_space<hbm>>) target_semaphore(%run_scoped3A : memref<!tpu.dma_semaphore, #tpu.memory_space<semaphore_mem>>)
        %dma_wait3A_140 = arith.constant 0 : i32
        %dma_wait3A_141 = tpu.memref_slice %arg8[%add3A_72, %dma_wait3A_140] : memref<196608x128xf32, #tpu.memory_space<hbm>> -> memref<128x128xf32, #tpu.memory_space<hbm>>
        %dma_wait3A_142 = arith.constant 0 : i32
        %dma_wait3A_143 = tpu.memref_slice %arg8[%add3A_72, %dma_wait3A_142] : memref<196608x128xf32, #tpu.memory_space<hbm>> -> memref<128x128xf32, #tpu.memory_space<hbm>>
        tpu.wait_dma2 semaphore(%run_scoped3A : memref<!tpu.dma_semaphore, #tpu.memory_space<semaphore_mem>>) src(%arg21 : memref<128x128xf32, #tpu.memory_space<vmem>>) dst(%dma_wait3A_143 : memref<128x128xf32, #tpu.memory_space<hbm>>)
        tpu.yield
      }) : () -> ()
      %add3A_73 = arith.constant 4 : i32
      %add3A_74 = arith.addi %add3A_65, %add3A_73 : i32
      %lt3A = arith.constant 48 : i32
      %lt3A_75 = arith.cmpi slt, %add3A_74, %lt3A : i32
      %convert_element_type3A_76 = arith.extui %lt3A_75 : i1 to i32
      %cond3A_77 = arith.constant 0 : i32
      %cond3A_78 = arith.cmpi ne, %convert_element_type3A_76, %cond3A_77 : i32
      scf.if %cond3A_78 {
        %add3A_136 = arith.constant 4 : i32
        %add3A_137 = arith.addi %add3A_65, %add3A_136 : i32
        %scan3A_138 = arith.constant 0 : i32
        %scan3A_139 = arith.constant 0 : i32
        %scan3A_140 = arith.constant 8 : i32
        %scan3A_141 = arith.addi %scan3A_139, %scan3A_140 : i32
        %scan3A_142 = arith.constant 1 : i32
        scf.for %scan3A_149 = %scan3A_139 to %scan3A_141 step %scan3A_142  : i32 {
          %mul3A_150 = arith.constant 128 : i32
          %mul3A_151 = arith.muli %add3A_137, %mul3A_150 : i32
          %mul3A_152 = arith.constant 16 : i32
          %mul3A_153 = arith.muli %scan3A_149, %mul3A_152 : i32
          %add3A_154 = arith.addi %mul3A_151, %mul3A_153 : i32
          %get3A = arith.index_cast %add3A_154 : i32 to index
          %get3A_155 = tpu.vector_load %arg13[%get3A] {strides = array<i32>} : memref<6160xi32, #tpu.memory_space<vmem>>, vector<16xi32>,
          %mul3A_156 = arith.constant 16 : i32
          %mul3A_157 = arith.muli %scan3A_149, %mul3A_156 : i32
          %swap3A = arith.index_cast %mul3A_157 : i32 to index
          %swap3A_158 = tpu.vector_load %arg17[%swap3A] {strides = array<i32>} : memref<128xi32, #tpu.memory_space<vmem>>, vector<16xi32>,
          tpu.vector_store %arg17[%swap3A], %get3A_155 {strides = array<i32>} : memref<128xi32, #tpu.memory_space<vmem>>, vector<16xi32>,
        }
        %scan3A_143 = arith.constant 8 : i32
        %add3A_144 = arith.constant 4 : i32
        %add3A_145 = arith.addi %add3A_65, %add3A_144 : i32
        %dma_start3A_146 = arith.constant 0 : i32
        %dma_start3A_147 = arith.constant 0 : i32
        %dma_start3A_148 = tpu.memref_slice %arg29[%dma_start3A_146, %dma_start3A_147] : memref<2048x128xf32, #tpu.memory_space<vmem_shared>> -> memref<2048x128xf32, #tpu.memory_space<vmem_shared>>
        tpu.enqueue_indirect_dma source(%dma_start3A_148 : memref<2048x128xf32, #tpu.memory_space<vmem_shared>>) target(%arg21 : memref<128x128xf32, #tpu.memory_space<vmem>>) offsets(%arg17 : memref<128xi32, #tpu.memory_space<vmem>>) semaphore(%arg25 : memref<!tpu.dma_semaphore, #tpu.memory_space<semaphore_mem>>)
      } else {
      }
      %mul3A_79 = arith.constant 4 : i32
      %mul3A_80 = arith.muli %scan3A_61, %mul3A_79 : i32
      %add3A_81 = arith.constant 1 : i32
      %add3A_82 = arith.addi %mul3A_80, %add3A_81 : i32
      %dma_wait3A_83 = arith.constant 0 : i32
      %dma_wait3A_84 = arith.constant 0 : i32
      %dma_wait3A_85 = tpu.memref_slice %arg29[%dma_wait3A_83, %dma_wait3A_84] : memref<2048x128xf32, #tpu.memory_space<vmem_shared>> -> memref<2048x128xf32, #tpu.memory_space<vmem_shared>>
      tpu.wait_indirect_dma semaphore(%arg26 : memref<!tpu.dma_semaphore, #tpu.memory_space<semaphore_mem>>) src(%dma_wait3A_85 : memref<2048x128xf32, #tpu.memory_space<vmem_shared>>) dst(%arg22 : memref<128x128xf32, #tpu.memory_space<vmem>>)
      %mul3A_86 = arith.constant 96 : i32
      %mul3A_87 = arith.muli %mul3A_2, %mul3A_86 : i32
      %mul3A_88 = arith.constant 128 : i32
      %mul3A_89 = arith.muli %add3A_82, %mul3A_88 : i32
      %add3A_90 = arith.addi %mul3A_87, %mul3A_89 : i32
      "tpu.region"() ({
        %run_scoped3A = tpu.sem_alloc : memref<!tpu.dma_semaphore, #tpu.memory_space<semaphore_mem>>
        %dma_start3A_136 = arith.constant 0 : i32
        %dma_start3A_137 = tpu.memref_slice %arg8[%add3A_90, %dma_start3A_136] : memref<196608x128xf32, #tpu.memory_space<hbm>> -> memref<128x128xf32, #tpu.memory_space<hbm>>
        %dma_start3A_138 = arith.constant 0 : i32
        %dma_start3A_139 = tpu.memref_slice %arg8[%add3A_90, %dma_start3A_138] : memref<196608x128xf32, #tpu.memory_space<hbm>> -> memref<128x128xf32, #tpu.memory_space<hbm>>
        tpu.enqueue_dma source(%arg22 : memref<128x128xf32, #tpu.memory_space<vmem>>) target(%dma_start3A_139 : memref<128x128xf32, #tpu.memory_space<hbm>>) target_semaphore(%run_scoped3A : memref<!tpu.dma_semaphore, #tpu.memory_space<semaphore_mem>>)
        %dma_wait3A_140 = arith.constant 0 : i32
        %dma_wait3A_141 = tpu.memref_slice %arg8[%add3A_90, %dma_wait3A_140] : memref<196608x128xf32, #tpu.memory_space<hbm>> -> memref<128x128xf32, #tpu.memory_space<hbm>>
        %dma_wait3A_142 = arith.constant 0 : i32
        %dma_wait3A_143 = tpu.memref_slice %arg8[%add3A_90, %dma_wait3A_142] : memref<196608x128xf32, #tpu.memory_space<hbm>> -> memref<128x128xf32, #tpu.memory_space<hbm>>
        tpu.wait_dma2 semaphore(%run_scoped3A : memref<!tpu.dma_semaphore, #tpu.memory_space<semaphore_mem>>) src(%arg22 : memref<128x128xf32, #tpu.memory_space<vmem>>) dst(%dma_wait3A_143 : memref<128x128xf32, #tpu.memory_space<hbm>>)
        tpu.yield
      }) : () -> ()
      %add3A_91 = arith.constant 4 : i32
      %add3A_92 = arith.addi %add3A_82, %add3A_91 : i32
      %lt3A_93 = arith.constant 48 : i32
      %lt3A_94 = arith.cmpi slt, %add3A_92, %lt3A_93 : i32
      %convert_element_type3A_95 = arith.extui %lt3A_94 : i1 to i32
      %cond3A_96 = arith.constant 0 : i32
      %cond3A_97 = arith.cmpi ne, %convert_element_type3A_95, %cond3A_96 : i32
      scf.if %cond3A_97 {
        %add3A_136 = arith.constant 4 : i32
        %add3A_137 = arith.addi %add3A_82, %add3A_136 : i32
        %scan3A_138 = arith.constant 0 : i32
        %scan3A_139 = arith.constant 0 : i32
        %scan3A_140 = arith.constant 8 : i32
        %scan3A_141 = arith.addi %scan3A_139, %scan3A_140 : i32
        %scan3A_142 = arith.constant 1 : i32
        scf.for %scan3A_149 = %scan3A_139 to %scan3A_141 step %scan3A_142  : i32 {
          %mul3A_150 = arith.constant 128 : i32
          %mul3A_151 = arith.muli %add3A_137, %mul3A_150 : i32
          %mul3A_152 = arith.constant 16 : i32
          %mul3A_153 = arith.muli %scan3A_149, %mul3A_152 : i32
          %add3A_154 = arith.addi %mul3A_151, %mul3A_153 : i32
          %get3A = arith.index_cast %add3A_154 : i32 to index
          %get3A_155 = tpu.vector_load %arg13[%get3A] {strides = array<i32>} : memref<6160xi32, #tpu.memory_space<vmem>>, vector<16xi32>,
          %mul3A_156 = arith.constant 16 : i32
          %mul3A_157 = arith.muli %scan3A_149, %mul3A_156 : i32
          %swap3A = arith.index_cast %mul3A_157 : i32 to index
          %swap3A_158 = tpu.vector_load %arg18[%swap3A] {strides = array<i32>} : memref<128xi32, #tpu.memory_space<vmem>>, vector<16xi32>,
          tpu.vector_store %arg18[%swap3A], %get3A_155 {strides = array<i32>} : memref<128xi32, #tpu.memory_space<vmem>>, vector<16xi32>,
        }
        %scan3A_143 = arith.constant 8 : i32
        %add3A_144 = arith.constant 4 : i32
        %add3A_145 = arith.addi %add3A_82, %add3A_144 : i32
        %dma_start3A_146 = arith.constant 0 : i32
        %dma_start3A_147 = arith.constant 0 : i32
        %dma_start3A_148 = tpu.memref_slice %arg29[%dma_start3A_146, %dma_start3A_147] : memref<2048x128xf32, #tpu.memory_space<vmem_shared>> -> memref<2048x128xf32, #tpu.memory_space<vmem_shared>>
        tpu.enqueue_indirect_dma source(%dma_start3A_148 : memref<2048x128xf32, #tpu.memory_space<vmem_shared>>) target(%arg22 : memref<128x128xf32, #tpu.memory_space<vmem>>) offsets(%arg18 : memref<128xi32, #tpu.memory_space<vmem>>) semaphore(%arg26 : memref<!tpu.dma_semaphore, #tpu.memory_space<semaphore_mem>>)
      } else {
      }
      %mul3A_98 = arith.constant 4 : i32
      %mul3A_99 = arith.muli %scan3A_61, %mul3A_98 : i32
      %add3A_100 = arith.constant 2 : i32
      %add3A_101 = arith.addi %mul3A_99, %add3A_100 : i32
      %dma_wait3A_102 = arith.constant 0 : i32
      %dma_wait3A_103 = arith.constant 0 : i32
      %dma_wait3A_104 = tpu.memref_slice %arg29[%dma_wait3A_102, %dma_wait3A_103] : memref<2048x128xf32, #tpu.memory_space<vmem_shared>> -> memref<2048x128xf32, #tpu.memory_space<vmem_shared>>
      tpu.wait_indirect_dma semaphore(%arg27 : memref<!tpu.dma_semaphore, #tpu.memory_space<semaphore_mem>>) src(%dma_wait3A_104 : memref<2048x128xf32, #tpu.memory_space<vmem_shared>>) dst(%arg23 : memref<128x128xf32, #tpu.memory_space<vmem>>)
      %mul3A_105 = arith.constant 96 : i32
      %mul3A_106 = arith.muli %mul3A_2, %mul3A_105 : i32
      %mul3A_107 = arith.constant 128 : i32
      %mul3A_108 = arith.muli %add3A_101, %mul3A_107 : i32
      %add3A_109 = arith.addi %mul3A_106, %mul3A_108 : i32
      "tpu.region"() ({
        %run_scoped3A = tpu.sem_alloc : memref<!tpu.dma_semaphore, #tpu.memory_space<semaphore_mem>>
        %dma_start3A_136 = arith.constant 0 : i32
        %dma_start3A_137 = tpu.memref_slice %arg8[%add3A_109, %dma_start3A_136] : memref<196608x128xf32, #tpu.memory_space<hbm>> -> memref<128x128xf32, #tpu.memory_space<hbm>>
        %dma_start3A_138 = arith.constant 0 : i32
        %dma_start3A_139 = tpu.memref_slice %arg8[%add3A_109, %dma_start3A_138] : memref<196608x128xf32, #tpu.memory_space<hbm>> -> memref<128x128xf32, #tpu.memory_space<hbm>>
        tpu.enqueue_dma source(%arg23 : memref<128x128xf32, #tpu.memory_space<vmem>>) target(%dma_start3A_139 : memref<128x128xf32, #tpu.memory_space<hbm>>) target_semaphore(%run_scoped3A : memref<!tpu.dma_semaphore, #tpu.memory_space<semaphore_mem>>)
        %dma_wait3A_140 = arith.constant 0 : i32
        %dma_wait3A_141 = tpu.memref_slice %arg8[%add3A_109, %dma_wait3A_140] : memref<196608x128xf32, #tpu.memory_space<hbm>> -> memref<128x128xf32, #tpu.memory_space<hbm>>
        %dma_wait3A_142 = arith.constant 0 : i32
        %dma_wait3A_143 = tpu.memref_slice %arg8[%add3A_109, %dma_wait3A_142] : memref<196608x128xf32, #tpu.memory_space<hbm>> -> memref<128x128xf32, #tpu.memory_space<hbm>>
        tpu.wait_dma2 semaphore(%run_scoped3A : memref<!tpu.dma_semaphore, #tpu.memory_space<semaphore_mem>>) src(%arg23 : memref<128x128xf32, #tpu.memory_space<vmem>>) dst(%dma_wait3A_143 : memref<128x128xf32, #tpu.memory_space<hbm>>)
        tpu.yield
      }) : () -> ()
      %add3A_110 = arith.constant 4 : i32
      %add3A_111 = arith.addi %add3A_101, %add3A_110 : i32
      %lt3A_112 = arith.constant 48 : i32
      %lt3A_113 = arith.cmpi slt, %add3A_111, %lt3A_112 : i32
      %convert_element_type3A_114 = arith.extui %lt3A_113 : i1 to i32
      %cond3A_115 = arith.constant 0 : i32
      %cond3A_116 = arith.cmpi ne, %convert_element_type3A_114, %cond3A_115 : i32
      scf.if %cond3A_116 {
        %add3A_136 = arith.constant 4 : i32
        %add3A_137 = arith.addi %add3A_101, %add3A_136 : i32
        %scan3A_138 = arith.constant 0 : i32
        %scan3A_139 = arith.constant 0 : i32
        %scan3A_140 = arith.constant 8 : i32
        %scan3A_141 = arith.addi %scan3A_139, %scan3A_140 : i32
        %scan3A_142 = arith.constant 1 : i32
        scf.for %scan3A_149 = %scan3A_139 to %scan3A_141 step %scan3A_142  : i32 {
          %mul3A_150 = arith.constant 128 : i32
          %mul3A_151 = arith.muli %add3A_137, %mul3A_150 : i32
          %mul3A_152 = arith.constant 16 : i32
          %mul3A_153 = arith.muli %scan3A_149, %mul3A_152 : i32
          %add3A_154 = arith.addi %mul3A_151, %mul3A_153 : i32
          %get3A = arith.index_cast %add3A_154 : i32 to index
          %get3A_155 = tpu.vector_load %arg13[%get3A] {strides = array<i32>} : memref<6160xi32, #tpu.memory_space<vmem>>, vector<16xi32>,
          %mul3A_156 = arith.constant 16 : i32
          %mul3A_157 = arith.muli %scan3A_149, %mul3A_156 : i32
          %swap3A = arith.index_cast %mul3A_157 : i32 to index
          %swap3A_158 = tpu.vector_load %arg19[%swap3A] {strides = array<i32>} : memref<128xi32, #tpu.memory_space<vmem>>, vector<16xi32>,
          tpu.vector_store %arg19[%swap3A], %get3A_155 {strides = array<i32>} : memref<128xi32, #tpu.memory_space<vmem>>, vector<16xi32>,
        }
        %scan3A_143 = arith.constant 8 : i32
        %add3A_144 = arith.constant 4 : i32
        %add3A_145 = arith.addi %add3A_101, %add3A_144 : i32
        %dma_start3A_146 = arith.constant 0 : i32
        %dma_start3A_147 = arith.constant 0 : i32
        %dma_start3A_148 = tpu.memref_slice %arg29[%dma_start3A_146, %dma_start3A_147] : memref<2048x128xf32, #tpu.memory_space<vmem_shared>> -> memref<2048x128xf32, #tpu.memory_space<vmem_shared>>
        tpu.enqueue_indirect_dma source(%dma_start3A_148 : memref<2048x128xf32, #tpu.memory_space<vmem_shared>>) target(%arg23 : memref<128x128xf32, #tpu.memory_space<vmem>>) offsets(%arg19 : memref<128xi32, #tpu.memory_space<vmem>>) semaphore(%arg27 : memref<!tpu.dma_semaphore, #tpu.memory_space<semaphore_mem>>)
      } else {
      }
      %mul3A_117 = arith.constant 4 : i32
      %mul3A_118 = arith.muli %scan3A_61, %mul3A_117 : i32
      %add3A_119 = arith.constant 3 : i32
      %add3A_120 = arith.addi %mul3A_118, %add3A_119 : i32
      %dma_wait3A_121 = arith.constant 0 : i32
      %dma_wait3A_122 = arith.constant 0 : i32
      %dma_wait3A_123 = tpu.memref_slice %arg29[%dma_wait3A_121, %dma_wait3A_122] : memref<2048x128xf32, #tpu.memory_space<vmem_shared>> -> memref<2048x128xf32, #tpu.memory_space<vmem_shared>>
      tpu.wait_indirect_dma semaphore(%arg28 : memref<!tpu.dma_semaphore, #tpu.memory_space<semaphore_mem>>) src(%dma_wait3A_123 : memref<2048x128xf32, #tpu.memory_space<vmem_shared>>) dst(%arg24 : memref<128x128xf32, #tpu.memory_space<vmem>>)
      %mul3A_124 = arith.constant 96 : i32
      %mul3A_125 = arith.muli %mul3A_2, %mul3A_124 : i32
      %mul3A_126 = arith.constant 128 : i32
      %mul3A_127 = arith.muli %add3A_120, %mul3A_126 : i32
      %add3A_128 = arith.addi %mul3A_125, %mul3A_127 : i32
      "tpu.region"() ({
        %run_scoped3A = tpu.sem_alloc : memref<!tpu.dma_semaphore, #tpu.memory_space<semaphore_mem>>
        %dma_start3A_136 = arith.constant 0 : i32
        %dma_start3A_137 = tpu.memref_slice %arg8[%add3A_128, %dma_start3A_136] : memref<196608x128xf32, #tpu.memory_space<hbm>> -> memref<128x128xf32, #tpu.memory_space<hbm>>
        %dma_start3A_138 = arith.constant 0 : i32
        %dma_start3A_139 = tpu.memref_slice %arg8[%add3A_128, %dma_start3A_138] : memref<196608x128xf32, #tpu.memory_space<hbm>> -> memref<128x128xf32, #tpu.memory_space<hbm>>
        tpu.enqueue_dma source(%arg24 : memref<128x128xf32, #tpu.memory_space<vmem>>) target(%dma_start3A_139 : memref<128x128xf32, #tpu.memory_space<hbm>>) target_semaphore(%run_scoped3A : memref<!tpu.dma_semaphore, #tpu.memory_space<semaphore_mem>>)
        %dma_wait3A_140 = arith.constant 0 : i32
        %dma_wait3A_141 = tpu.memref_slice %arg8[%add3A_128, %dma_wait3A_140] : memref<196608x128xf32, #tpu.memory_space<hbm>> -> memref<128x128xf32, #tpu.memory_space<hbm>>
        %dma_wait3A_142 = arith.constant 0 : i32
        %dma_wait3A_143 = tpu.memref_slice %arg8[%add3A_128, %dma_wait3A_142] : memref<196608x128xf32, #tpu.memory_space<hbm>> -> memref<128x128xf32, #tpu.memory_space<hbm>>
        tpu.wait_dma2 semaphore(%run_scoped3A : memref<!tpu.dma_semaphore, #tpu.memory_space<semaphore_mem>>) src(%arg24 : memref<128x128xf32, #tpu.memory_space<vmem>>) dst(%dma_wait3A_143 : memref<128x128xf32, #tpu.memory_space<hbm>>)
        tpu.yield
      }) : () -> ()
      %add3A_129 = arith.constant 4 : i32
      %add3A_130 = arith.addi %add3A_120, %add3A_129 : i32
      %lt3A_131 = arith.constant 48 : i32
      %lt3A_132 = arith.cmpi slt, %add3A_130, %lt3A_131 : i32
      %convert_element_type3A_133 = arith.extui %lt3A_132 : i1 to i32
      %cond3A_134 = arith.constant 0 : i32
      %cond3A_135 = arith.cmpi ne, %convert_element_type3A_133, %cond3A_134 : i32
      scf.if %cond3A_135 {
        %add3A_136 = arith.constant 4 : i32
        %add3A_137 = arith.addi %add3A_120, %add3A_136 : i32
        %scan3A_138 = arith.constant 0 : i32
        %scan3A_139 = arith.constant 0 : i32
        %scan3A_140 = arith.constant 8 : i32
        %scan3A_141 = arith.addi %scan3A_139, %scan3A_140 : i32
        %scan3A_142 = arith.constant 1 : i32
        scf.for %scan3A_149 = %scan3A_139 to %scan3A_141 step %scan3A_142  : i32 {
          %mul3A_150 = arith.constant 128 : i32
          %mul3A_151 = arith.muli %add3A_137, %mul3A_150 : i32
          %mul3A_152 = arith.constant 16 : i32
          %mul3A_153 = arith.muli %scan3A_149, %mul3A_152 : i32
          %add3A_154 = arith.addi %mul3A_151, %mul3A_153 : i32
          %get3A = arith.index_cast %add3A_154 : i32 to index
          %get3A_155 = tpu.vector_load %arg13[%get3A] {strides = array<i32>} : memref<6160xi32, #tpu.memory_space<vmem>>, vector<16xi32>,
          %mul3A_156 = arith.constant 16 : i32
          %mul3A_157 = arith.muli %scan3A_149, %mul3A_156 : i32
          %swap3A = arith.index_cast %mul3A_157 : i32 to index
          %swap3A_158 = tpu.vector_load %arg20[%swap3A] {strides = array<i32>} : memref<128xi32, #tpu.memory_space<vmem>>, vector<16xi32>,
          tpu.vector_store %arg20[%swap3A], %get3A_155 {strides = array<i32>} : memref<128xi32, #tpu.memory_space<vmem>>, vector<16xi32>,
        }
        %scan3A_143 = arith.constant 8 : i32
        %add3A_144 = arith.constant 4 : i32
        %add3A_145 = arith.addi %add3A_120, %add3A_144 : i32
        %dma_start3A_146 = arith.constant 0 : i32
        %dma_start3A_147 = arith.constant 0 : i32
        %dma_start3A_148 = tpu.memref_slice %arg29[%dma_start3A_146, %dma_start3A_147] : memref<2048x128xf32, #tpu.memory_space<vmem_shared>> -> memref<2048x128xf32, #tpu.memory_space<vmem_shared>>
        tpu.enqueue_indirect_dma source(%dma_start3A_148 : memref<2048x128xf32, #tpu.memory_space<vmem_shared>>) target(%arg24 : memref<128x128xf32, #tpu.memory_space<vmem>>) offsets(%arg20 : memref<128xi32, #tpu.memory_space<vmem>>) semaphore(%arg28 : memref<!tpu.dma_semaphore, #tpu.memory_space<semaphore_mem>>)
      } else {
      }
    }
    %scan3A_60 = arith.constant 12 : i32
    return
  }
}

module attributes {stable_mosaic.version = 14 : i64} {
  func.func @_stage_c(%arg0: i32, %arg1: memref<6144x1xf32, #tpu.memory_space<vmem>>, %arg2: memref<6144x128xf32, #tpu.memory_space<vmem>>, %arg3: memref<64x128xf32, #tpu.memory_space<vmem>>, %arg4: memref<64x128xf32, #tpu.memory_space<vmem>>, %arg5: memref<128x128xf32, #tpu.memory_space<vmem>>, %arg6: memref<1x128xf32, #tpu.memory_space<vmem>>, %arg7: memref<1x128xf32, #tpu.memory_space<vmem>>, %arg8: memref<1x1xf32, #tpu.memory_space<vmem>>, %arg9: memref<1x1xf32, #tpu.memory_space<vmem>>) attributes {dimension_semantics = [#tpu.dimension_semantics<arbitrary>], iteration_bounds = array<i64: 32>, scalar_prefetch = 0 : i64, scratch_operands = 0 : i64, tpu.core_type = #tpu.core_type<tc>, window_params = [{transform_indices = @transform_0, window_bounds = array<i64: 6144, 1>}, {transform_indices = @transform_1, window_bounds = array<i64: 6144, 128>}, {transform_indices = @transform_2, window_bounds = array<i64: 64, 128>}, {pipeline_mode = #tpu.pipeline_mode<synchronous>, transform_indices = @transform_3, window_bounds = array<i64: 64, 128>}, {pipeline_mode = #tpu.pipeline_mode<synchronous>, transform_indices = @transform_4, window_bounds = array<i64: 128, 128>}, {pipeline_mode = #tpu.pipeline_mode<synchronous>, transform_indices = @transform_5, window_bounds = array<i64: 1, 128>}, {pipeline_mode = #tpu.pipeline_mode<synchronous>, transform_indices = @transform_6, window_bounds = array<i64: 1, 128>}, {pipeline_mode = #tpu.pipeline_mode<synchronous>, transform_indices = @transform_7, window_bounds = array<i64: 1, 1>}, {pipeline_mode = #tpu.pipeline_mode<synchronous>, transform_indices = @transform_8, window_bounds = array<i64: 1, 1>}]} {
    %get3A = arith.constant 0 : index
    %get3A_0 = arith.constant 0 : index
    %get3A_1 = vector.load %arg1[%get3A, %get3A_0] : memref<6144x1xf32, #tpu.memory_space<vmem>>, vector<6144x1xf32>
    %sqrt3A = math.sqrt %get3A_1 : vector<6144x1xf32>
    %iota3A = tpu.iota {dimensions = array<i32: 1>} : vector<1x64xi32>
    %convert_element_type3A = arith.sitofp %iota3A : vector<1x64xi32> to vector<1x64xf32>
    %mul3A = arith.constant 0.079365082 : f32
    %mul3A_2 = vector.broadcast %mul3A : f32 to vector<1x64xf32>
    %mul3A_3 = arith.mulf %convert_element_type3A, %mul3A_2 : vector<1x64xf32>
    %sub3A = vector.broadcast %sqrt3A : vector<6144x1xf32> to vector<6144x64xf32>
    %sub3A_4 = vector.broadcast %mul3A_3 : vector<1x64xf32> to vector<6144x64xf32>
    %sub3A_5 = arith.subf %sub3A, %sub3A_4 : vector<6144x64xf32>
    %integer_pow3A = arith.mulf %sub3A_5, %sub3A_5 : vector<6144x64xf32>
    %mul3A_6 = arith.constant -1.000000e+01 : f32
    %mul3A_7 = vector.broadcast %mul3A_6 : f32 to vector<6144x64xf32>
    %mul3A_8 = arith.mulf %mul3A_7, %integer_pow3A : vector<6144x64xf32>
    %exp3A = math.exp %mul3A_8 : vector<6144x64xf32>
    %convert_element_type3A_9 = arith.truncf %exp3A : vector<6144x64xf32> to vector<6144x64xbf16>
    %get3A_10 = arith.constant 0 : index
    %get3A_11 = arith.constant 0 : index
    %get3A_12 = vector.load %arg4[%get3A_10, %get3A_11] : memref<64x128xf32, #tpu.memory_space<vmem>>, vector<64x128xf32>
    %convert_element_type3A_13 = arith.truncf %get3A_12 : vector<64x128xf32> to vector<64x128xbf16>
    %dot_general3A = arith.constant dense<0.000000e+00> : vector<6144x128xf32>
    %dot_general3A_14 = tpu.matmul %convert_element_type3A_9, %convert_element_type3A_13, %dot_general3A {dimension_numbers = #tpu.dot_dimension_numbers<[1], [0], [0], [1], [0, 0, 1, 1], [], []>, transpose_lhs_hint = false} : vector<6144x64xbf16>, vector<64x128xbf16>, vector<6144x128xf32> -> vector<6144x128xf32>
    %get3A_15 = arith.constant 0 : index
    %get3A_16 = arith.constant 0 : index
    %get3A_17 = vector.load %arg2[%get3A_15, %get3A_16] : memref<6144x128xf32, #tpu.memory_space<vmem>>, vector<6144x128xf32>
    %mul3A_18 = arith.mulf %dot_general3A_14, %get3A_17 : vector<6144x128xf32>
    %reshape3A = vector.shape_cast %mul3A_18 : vector<6144x128xf32> to vector<64x96x128xf32>
    %reduce_sum3A = arith.constant dense<0.000000e+00> : vector<64x128xf32>
    %reduce_sum3A_19 = vector.multi_reduction <add>, %reshape3A, %reduce_sum3A [1] : vector<64x96x128xf32> to vector<64x128xf32>
    %get3A_20 = arith.constant 0 : index
    %get3A_21 = arith.constant 0 : index
    %get3A_22 = vector.load %arg3[%get3A_20, %get3A_21] : memref<64x128xf32, #tpu.memory_space<vmem>>, vector<64x128xf32>
    %add3A = arith.addf %get3A_22, %reduce_sum3A_19 : vector<64x128xf32>
    %convert_element_type3A_23 = arith.truncf %add3A : vector<64x128xf32> to vector<64x128xbf16>
    %get3A_24 = arith.constant 0 : index
    %get3A_25 = arith.constant 0 : index
    %get3A_26 = vector.load %arg5[%get3A_24, %get3A_25] : memref<128x128xf32, #tpu.memory_space<vmem>>, vector<128x128xf32>
    %convert_element_type3A_27 = arith.truncf %get3A_26 : vector<128x128xf32> to vector<128x128xbf16>
    %dot_general3A_28 = arith.constant dense<0.000000e+00> : vector<64x128xf32>
    %dot_general3A_29 = tpu.matmul %convert_element_type3A_23, %convert_element_type3A_27, %dot_general3A_28 {dimension_numbers = #tpu.dot_dimension_numbers<[1], [0], [0], [1], [0, 0, 1, 1], [], []>, transpose_lhs_hint = false} : vector<64x128xbf16>, vector<128x128xbf16>, vector<64x128xf32> -> vector<64x128xf32>
    %get3A_30 = arith.constant 0 : index
    %get3A_31 = arith.constant 0 : index
    %get3A_32 = vector.load %arg6[%get3A_30, %get3A_31] : memref<1x128xf32, #tpu.memory_space<vmem>>, vector<1x128xf32>
    %add3A_33 = vector.broadcast %get3A_32 : vector<1x128xf32> to vector<64x128xf32>
    %add3A_34 = arith.addf %dot_general3A_29, %add3A_33 : vector<64x128xf32>
    %tanh3A = math.tanh %add3A_34 : vector<64x128xf32>
    %convert_element_type3A_35 = arith.truncf %tanh3A : vector<64x128xf32> to vector<64x128xbf16>
    %convert_element_type3A_36 = arith.extf %convert_element_type3A_35 : vector<64x128xbf16> to vector<64x128xf32>
    %get3A_37 = arith.constant 0 : index
    %get3A_38 = arith.constant 0 : index
    %get3A_39 = vector.load %arg7[%get3A_37, %get3A_38] : memref<1x128xf32, #tpu.memory_space<vmem>>, vector<1x128xf32>
    %convert_element_type3A_40 = arith.truncf %get3A_39 : vector<1x128xf32> to vector<1x128xbf16>
    %convert_element_type3A_41 = arith.extf %convert_element_type3A_40 : vector<1x128xbf16> to vector<1x128xf32>
    %mul3A_42 = vector.broadcast %convert_element_type3A_41 : vector<1x128xf32> to vector<64x128xf32>
    %mul3A_43 = arith.mulf %convert_element_type3A_36, %mul3A_42 : vector<64x128xf32>
    %reduce_sum3A_44 = vector.shape_cast %mul3A_43 : vector<64x128xf32> to vector<1x64x128xf32>
    %reduce_sum3A_45 = arith.constant dense<0.000000e+00> : vector<1xf32>
    %reduce_sum3A_46 = vector.multi_reduction <add>, %reduce_sum3A_44, %reduce_sum3A_45 [1, 2] : vector<1x64x128xf32> to vector<1xf32>
    %reduce_sum3A_47 = vector.shape_cast %reduce_sum3A_46 : vector<1xf32> to vector<1x1x1xf32>
    %reduce_sum3A_48 = vector.extract %reduce_sum3A_47[0, 0, 0] : f32 from vector<1x1x1xf32>
    %get3A_49 = arith.constant 0 : index
    %get3A_50 = arith.constant 0 : index
    %get3A_51 = vector.load %arg8[%get3A_49, %get3A_50] : memref<1x1xf32, #tpu.memory_space<vmem>>, vector<1x1xf32>
    %get3A_52 = vector.extract %get3A_51[0, 0] : f32 from vector<1x1xf32>
    %mul3A_53 = arith.constant 6.400000e+01 : f32
    %mul3A_54 = arith.mulf %mul3A_53, %get3A_52 : f32
    %add3A_55 = arith.addf %reduce_sum3A_48, %mul3A_54 : f32
    %eq3A = arith.constant 0 : i32
    %eq3A_56 = arith.cmpi eq, %arg0, %eq3A : i32
    %convert_element_type3A_57 = arith.extui %eq3A_56 : i1 to i32
    %cond3A = arith.constant 0 : i32
    %cond3A_58 = arith.cmpi ne, %convert_element_type3A_57, %cond3A : i32
    scf.if %cond3A_58 {
      %broadcast_in_dim3A_65 = arith.constant 0.000000e+00 : f32
      %broadcast_in_dim3A_66 = vector.broadcast %broadcast_in_dim3A_65 : f32 to vector<1x1xf32>
      %swap3A_67 = arith.constant 0 : index
      %swap3A_68 = arith.constant 0 : index
      %swap3A_69 = vector.load %arg9[%swap3A_67, %swap3A_68] : memref<1x1xf32, #tpu.memory_space<vmem>>, vector<1x1xf32>
      tpu.vector_store %arg9[%swap3A_67, %swap3A_68], %broadcast_in_dim3A_66 {strides = array<i32>} : memref<1x1xf32, #tpu.memory_space<vmem>>, vector<1x1xf32>,
    } else {
    }
    %get3A_59 = arith.constant 0 : index
    %get3A_60 = arith.constant 0 : index
    %get3A_61 = vector.load %arg9[%get3A_59, %get3A_60] : memref<1x1xf32, #tpu.memory_space<vmem>>, vector<1x1xf32>
    %broadcast_in_dim3A = vector.broadcast %add3A_55 : f32 to vector<1x1xf32>
    %add3A_62 = arith.addf %get3A_61, %broadcast_in_dim3A : vector<1x1xf32>
    %swap3A = arith.constant 0 : index
    %swap3A_63 = arith.constant 0 : index
    %swap3A_64 = vector.load %arg9[%swap3A, %swap3A_63] : memref<1x1xf32, #tpu.memory_space<vmem>>, vector<1x1xf32>
    tpu.vector_store %arg9[%swap3A, %swap3A_63], %add3A_62 {strides = array<i32>} : memref<1x1xf32, #tpu.memory_space<vmem>>, vector<1x1xf32>,
    return
  }
  func.func @transform_0(%arg0: i32) -> (i32, i32) {
    %c0_i32 = arith.constant 0 : i32
    %c0_i32_0 = arith.constant 0 : i32
    return %arg0, %c0_i32 : i32, i32
  }
  func.func @transform_1(%arg0: i32) -> (i32, i32) {
    %c0_i32 = arith.constant 0 : i32
    %c0_i32_0 = arith.constant 0 : i32
    return %arg0, %c0_i32 : i32, i32
  }
  func.func @transform_2(%arg0: i32) -> (i32, i32) {
    %c0_i32 = arith.constant 0 : i32
    %c0_i32_0 = arith.constant 0 : i32
    return %arg0, %c0_i32 : i32, i32
  }
  func.func @transform_3(%arg0: i32) -> (i32, i32) {
    %c0_i32 = arith.constant 0 : i32
    %c0_i32_0 = arith.constant 0 : i32
    %c0_i32_1 = arith.constant 0 : i32
    return %c0_i32, %c0_i32_0 : i32, i32
  }
  func.func @transform_4(%arg0: i32) -> (i32, i32) {
    %c0_i32 = arith.constant 0 : i32
    %c0_i32_0 = arith.constant 0 : i32
    %c0_i32_1 = arith.constant 0 : i32
    return %c0_i32, %c0_i32_0 : i32, i32
  }
  func.func @transform_5(%arg0: i32) -> (i32, i32) {
    %c0_i32 = arith.constant 0 : i32
    %c0_i32_0 = arith.constant 0 : i32
    %c0_i32_1 = arith.constant 0 : i32
    return %c0_i32, %c0_i32_0 : i32, i32
  }
  func.func @transform_6(%arg0: i32) -> (i32, i32) {
    %c0_i32 = arith.constant 0 : i32
    %c0_i32_0 = arith.constant 0 : i32
    %c0_i32_1 = arith.constant 0 : i32
    return %c0_i32, %c0_i32_0 : i32, i32
  }
  func.func @transform_7(%arg0: i32) -> (i32, i32) {
    %c0_i32 = arith.constant 0 : i32
    %c0_i32_0 = arith.constant 0 : i32
    %c0_i32_1 = arith.constant 0 : i32
    return %c0_i32, %c0_i32_0 : i32, i32
  }
  func.func @transform_8(%arg0: i32) -> (i32, i32) {
    %c0_i32 = arith.constant 0 : i32
    %c0_i32_0 = arith.constant 0 : i32
    %c0_i32_1 = arith.constant 0 : i32
    return %c0_i32, %c0_i32_0 : i32, i32
  }
}

module attributes {stable_mosaic.version = 14 : i64} {
  func.func @_stage_a(%arg0: i32, %arg1: memref<2048x8xf32, #tpu.memory_space<vmem>>, %arg2: memref<8x2048xf32, #tpu.memory_space<vmem>>, %arg3: memref<2048x1xi32, #tpu.memory_space<vmem>>, %arg4: memref<16x128xf32, #tpu.memory_space<vmem>>, %arg5: memref<2048x128xf32, #tpu.memory_space<vmem>>, %arg6: memref<128x128xi32, #tpu.memory_space<vmem>>, %arg7: memref<128x128xf32, #tpu.memory_space<vmem>>) attributes {dimension_semantics = [#tpu.dimension_semantics<arbitrary>], iteration_bounds = array<i64: 16>, scalar_prefetch = 0 : i64, scratch_operands = 0 : i64, tpu.core_type = #tpu.core_type<tc>, window_params = [{pipeline_mode = #tpu.pipeline_mode<synchronous>, transform_indices = @transform_0, window_bounds = array<i64: 2048, 8>}, {pipeline_mode = #tpu.pipeline_mode<synchronous>, transform_indices = @transform_1, window_bounds = array<i64: 8, 2048>}, {pipeline_mode = #tpu.pipeline_mode<synchronous>, transform_indices = @transform_2, window_bounds = array<i64: 2048, 1>}, {pipeline_mode = #tpu.pipeline_mode<synchronous>, transform_indices = @transform_3, window_bounds = array<i64: 16, 128>}, {pipeline_mode = #tpu.pipeline_mode<synchronous>, transform_indices = @transform_4, window_bounds = array<i64: 2048, 128>}, {transform_indices = @transform_5, window_bounds = array<i64: 128, 128>}, {transform_indices = @transform_6, window_bounds = array<i64: 128, 128>}]} {
    %mul3A = arith.constant 128 : i32
    %mul3A_0 = arith.muli %arg0, %mul3A : i32
    %broadcast_in_dim3A = arith.constant 0.000000e+00 : f32
    %broadcast_in_dim3A_1 = vector.broadcast %broadcast_in_dim3A : f32 to vector<128x2048xf32>
    %get3A = arith.index_cast %mul3A_0 : i32 to index
    %get3A_2 = arith.constant 0 : index
    %get3A_3 = vector.load %arg1[%get3A, %get3A_2] : memref<2048x8xf32, #tpu.memory_space<vmem>>, vector<128x1xf32>
    %get3A_4 = arith.constant 0 : index
    %get3A_5 = arith.constant 0 : index
    %get3A_6 = vector.load %arg2[%get3A_4, %get3A_5] : memref<8x2048xf32, #tpu.memory_space<vmem>>, vector<1x2048xf32>
    %sub3A = vector.broadcast %get3A_6 : vector<1x2048xf32> to vector<128x2048xf32>
    %sub3A_7 = vector.broadcast %get3A_3 : vector<128x1xf32> to vector<128x2048xf32>
    %sub3A_8 = arith.subf %sub3A, %sub3A_7 : vector<128x2048xf32>
    %lt3A = arith.constant -1.500000e+01 : f32
    %lt3A_9 = vector.broadcast %lt3A : f32 to vector<128x2048xf32>
    %lt3A_10 = arith.cmpf olt, %sub3A_8, %lt3A_9 : vector<128x2048xf32>
    %convert_element_type3A = arith.extui %lt3A_10 : vector<128x2048xi1> to vector<128x2048xi32>
    %convert_element_type3A_11 = arith.sitofp %convert_element_type3A : vector<128x2048xi32> to vector<128x2048xf32>
    %ge3A = arith.constant 1.500000e+01 : f32
    %ge3A_12 = vector.broadcast %ge3A : f32 to vector<128x2048xf32>
    %ge3A_13 = arith.cmpf oge, %sub3A_8, %ge3A_12 : vector<128x2048xf32>
    %convert_element_type3A_14 = arith.extui %ge3A_13 : vector<128x2048xi1> to vector<128x2048xi32>
    %convert_element_type3A_15 = arith.sitofp %convert_element_type3A_14 : vector<128x2048xi32> to vector<128x2048xf32>
    %sub3A_16 = arith.subf %convert_element_type3A_11, %convert_element_type3A_15 : vector<128x2048xf32>
    %mul3A_17 = arith.constant 3.000000e+01 : f32
    %mul3A_18 = vector.broadcast %mul3A_17 : f32 to vector<128x2048xf32>
    %mul3A_19 = arith.mulf %sub3A_16, %mul3A_18 : vector<128x2048xf32>
    %add3A = arith.addf %sub3A_8, %mul3A_19 : vector<128x2048xf32>
    %mul3A_20 = arith.mulf %add3A, %add3A : vector<128x2048xf32>
    %add3A_21 = arith.addf %broadcast_in_dim3A_1, %mul3A_20 : vector<128x2048xf32>
    %get3A_22 = arith.index_cast %mul3A_0 : i32 to index
    %get3A_23 = arith.constant 1 : index
    %get3A_24 = vector.load %arg1[%get3A_22, %get3A_23] : memref<2048x8xf32, #tpu.memory_space<vmem>>, vector<128x1xf32>
    %get3A_25 = arith.constant 1 : index
    %get3A_26 = arith.constant 0 : index
    %get3A_27 = vector.load %arg2[%get3A_25, %get3A_26] : memref<8x2048xf32, #tpu.memory_space<vmem>>, vector<1x2048xf32>
    %sub3A_28 = vector.broadcast %get3A_27 : vector<1x2048xf32> to vector<128x2048xf32>
    %sub3A_29 = vector.broadcast %get3A_24 : vector<128x1xf32> to vector<128x2048xf32>
    %sub3A_30 = arith.subf %sub3A_28, %sub3A_29 : vector<128x2048xf32>
    %lt3A_31 = arith.constant -1.500000e+01 : f32
    %lt3A_32 = vector.broadcast %lt3A_31 : f32 to vector<128x2048xf32>
    %lt3A_33 = arith.cmpf olt, %sub3A_30, %lt3A_32 : vector<128x2048xf32>
    %convert_element_type3A_34 = arith.extui %lt3A_33 : vector<128x2048xi1> to vector<128x2048xi32>
    %convert_element_type3A_35 = arith.sitofp %convert_element_type3A_34 : vector<128x2048xi32> to vector<128x2048xf32>
    %ge3A_36 = arith.constant 1.500000e+01 : f32
    %ge3A_37 = vector.broadcast %ge3A_36 : f32 to vector<128x2048xf32>
    %ge3A_38 = arith.cmpf oge, %sub3A_30, %ge3A_37 : vector<128x2048xf32>
    %convert_element_type3A_39 = arith.extui %ge3A_38 : vector<128x2048xi1> to vector<128x2048xi32>
    %convert_element_type3A_40 = arith.sitofp %convert_element_type3A_39 : vector<128x2048xi32> to vector<128x2048xf32>
    %sub3A_41 = arith.subf %convert_element_type3A_35, %convert_element_type3A_40 : vector<128x2048xf32>
    %mul3A_42 = arith.constant 3.000000e+01 : f32
    %mul3A_43 = vector.broadcast %mul3A_42 : f32 to vector<128x2048xf32>
    %mul3A_44 = arith.mulf %sub3A_41, %mul3A_43 : vector<128x2048xf32>
    %add3A_45 = arith.addf %sub3A_30, %mul3A_44 : vector<128x2048xf32>
    %mul3A_46 = arith.mulf %add3A_45, %add3A_45 : vector<128x2048xf32>
    %add3A_47 = arith.addf %add3A_21, %mul3A_46 : vector<128x2048xf32>
    %get3A_48 = arith.index_cast %mul3A_0 : i32 to index
    %get3A_49 = arith.constant 2 : index
    %get3A_50 = vector.load %arg1[%get3A_48, %get3A_49] : memref<2048x8xf32, #tpu.memory_space<vmem>>, vector<128x1xf32>
    %get3A_51 = arith.constant 2 : index
    %get3A_52 = arith.constant 0 : index
    %get3A_53 = vector.load %arg2[%get3A_51, %get3A_52] : memref<8x2048xf32, #tpu.memory_space<vmem>>, vector<1x2048xf32>
    %sub3A_54 = vector.broadcast %get3A_53 : vector<1x2048xf32> to vector<128x2048xf32>
    %sub3A_55 = vector.broadcast %get3A_50 : vector<128x1xf32> to vector<128x2048xf32>
    %sub3A_56 = arith.subf %sub3A_54, %sub3A_55 : vector<128x2048xf32>
    %lt3A_57 = arith.constant -1.500000e+01 : f32
    %lt3A_58 = vector.broadcast %lt3A_57 : f32 to vector<128x2048xf32>
    %lt3A_59 = arith.cmpf olt, %sub3A_56, %lt3A_58 : vector<128x2048xf32>
    %convert_element_type3A_60 = arith.extui %lt3A_59 : vector<128x2048xi1> to vector<128x2048xi32>
    %convert_element_type3A_61 = arith.sitofp %convert_element_type3A_60 : vector<128x2048xi32> to vector<128x2048xf32>
    %ge3A_62 = arith.constant 1.500000e+01 : f32
    %ge3A_63 = vector.broadcast %ge3A_62 : f32 to vector<128x2048xf32>
    %ge3A_64 = arith.cmpf oge, %sub3A_56, %ge3A_63 : vector<128x2048xf32>
    %convert_element_type3A_65 = arith.extui %ge3A_64 : vector<128x2048xi1> to vector<128x2048xi32>
    %convert_element_type3A_66 = arith.sitofp %convert_element_type3A_65 : vector<128x2048xi32> to vector<128x2048xf32>
    %sub3A_67 = arith.subf %convert_element_type3A_61, %convert_element_type3A_66 : vector<128x2048xf32>
    %mul3A_68 = arith.constant 3.000000e+01 : f32
    %mul3A_69 = vector.broadcast %mul3A_68 : f32 to vector<128x2048xf32>
    %mul3A_70 = arith.mulf %sub3A_67, %mul3A_69 : vector<128x2048xf32>
    %add3A_71 = arith.addf %sub3A_56, %mul3A_70 : vector<128x2048xf32>
    %mul3A_72 = arith.mulf %add3A_71, %add3A_71 : vector<128x2048xf32>
    %add3A_73 = arith.addf %add3A_47, %mul3A_72 : vector<128x2048xf32>
    %lt3A_74 = arith.constant 2.500000e+01 : f32
    %lt3A_75 = vector.broadcast %lt3A_74 : f32 to vector<128x2048xf32>
    %lt3A_76 = arith.cmpf olt, %add3A_73, %lt3A_75 : vector<128x2048xf32>
    %ne3A = arith.constant 0.000000e+00 : f32
    %ne3A_77 = vector.broadcast %ne3A : f32 to vector<128x2048xf32>
    %ne3A_78 = arith.cmpf one, %add3A_73, %ne3A_77 : vector<128x2048xf32>
    %and3A = arith.andi %lt3A_76, %ne3A_78 : vector<128x2048xi1>
    %convert_element_type3A_79 = arith.extui %and3A : vector<128x2048xi1> to vector<128x2048xi32>
    %convert_element_type3A_80 = arith.sitofp %convert_element_type3A_79 : vector<128x2048xi32> to vector<128x2048xf32>
    %get3A_81 = arith.constant 0 : index
    %get3A_82 = arith.constant 0 : index
    %get3A_83 = vector.load %arg5[%get3A_81, %get3A_82] : memref<2048x128xf32, #tpu.memory_space<vmem>>, vector<2048x128xf32>
    %dot_general3A = arith.constant dense<0.000000e+00> : vector<128x128xf32>
    %dot_general3A_84 = tpu.matmul %convert_element_type3A_80, %get3A_83, %dot_general3A {dimension_numbers = #tpu.dot_dimension_numbers<[1], [0], [0], [1], [0, 0, 1, 1], [], []>, transpose_lhs_hint = false} : vector<128x2048xf32>, vector<2048x128xf32>, vector<128x128xf32> -> vector<128x128xf32>
    %convert_element_type3A_85 = arith.fptosi %dot_general3A_84 : vector<128x128xf32> to vector<128x128xi32>
    %swap3A = arith.constant 0 : index
    %swap3A_86 = arith.constant 0 : index
    %swap3A_87 = vector.load %arg6[%swap3A, %swap3A_86] : memref<128x128xi32, #tpu.memory_space<vmem>>, vector<128x128xi32>
    tpu.vector_store %arg6[%swap3A, %swap3A_86], %convert_element_type3A_85 {strides = array<i32>} : memref<128x128xi32, #tpu.memory_space<vmem>>, vector<128x128xi32>,
    %get3A_88 = arith.index_cast %mul3A_0 : i32 to index
    %get3A_89 = arith.constant 0 : index
    %get3A_90 = vector.load %arg3[%get3A_88, %get3A_89] : memref<2048x1xi32, #tpu.memory_space<vmem>>, vector<128x1xi32>
    %broadcast_in_dim3A_91 = arith.constant 0.000000e+00 : f32
    %broadcast_in_dim3A_92 = vector.broadcast %broadcast_in_dim3A_91 : f32 to vector<128x128xf32>
    %eq3A = arith.constant 0 : i32
    %eq3A_93 = vector.broadcast %eq3A : i32 to vector<128x1xi32>
    %eq3A_94 = arith.cmpi eq, %get3A_90, %eq3A_93 : vector<128x1xi32>
    %jit3A = arith.constant 1.000000e+00 : f32
    %jit3A_95 = arith.constant 0.000000e+00 : f32
    %broadcast_in_dim3A_96 = vector.broadcast %jit3A : f32 to vector<128x1xf32>
    %broadcast_in_dim3A_97 = vector.broadcast %jit3A_95 : f32 to vector<128x1xf32>
    %select_n3A = arith.select %eq3A_94, %broadcast_in_dim3A_96, %broadcast_in_dim3A_97 : vector<128x1xi1>, vector<128x1xf32>
    %get3A_98 = arith.constant 0 : index
    %get3A_99 = arith.constant 0 : index
    %get3A_100 = vector.load %arg4[%get3A_98, %get3A_99] : memref<16x128xf32, #tpu.memory_space<vmem>>, vector<1x128xf32>
    %mul3A_101 = vector.broadcast %select_n3A : vector<128x1xf32> to vector<128x128xf32>
    %mul3A_102 = vector.broadcast %get3A_100 : vector<1x128xf32> to vector<128x128xf32>
    %mul3A_103 = arith.mulf %mul3A_101, %mul3A_102 : vector<128x128xf32>
    %add3A_104 = arith.addf %broadcast_in_dim3A_92, %mul3A_103 : vector<128x128xf32>
    %eq3A_105 = arith.constant 1 : i32
    %eq3A_106 = vector.broadcast %eq3A_105 : i32 to vector<128x1xi32>
    %eq3A_107 = arith.cmpi eq, %get3A_90, %eq3A_106 : vector<128x1xi32>
    %jit3A_108 = arith.constant 1.000000e+00 : f32
    %jit3A_109 = arith.constant 0.000000e+00 : f32
    %broadcast_in_dim3A_110 = vector.broadcast %jit3A_108 : f32 to vector<128x1xf32>
    %broadcast_in_dim3A_111 = vector.broadcast %jit3A_109 : f32 to vector<128x1xf32>
    %select_n3A_112 = arith.select %eq3A_107, %broadcast_in_dim3A_110, %broadcast_in_dim3A_111 : vector<128x1xi1>, vector<128x1xf32>
    %get3A_113 = arith.constant 1 : index
    %get3A_114 = arith.constant 0 : index
    %get3A_115 = vector.load %arg4[%get3A_113, %get3A_114] : memref<16x128xf32, #tpu.memory_space<vmem>>, vector<1x128xf32>
    %mul3A_116 = vector.broadcast %select_n3A_112 : vector<128x1xf32> to vector<128x128xf32>
    %mul3A_117 = vector.broadcast %get3A_115 : vector<1x128xf32> to vector<128x128xf32>
    %mul3A_118 = arith.mulf %mul3A_116, %mul3A_117 : vector<128x128xf32>
    %add3A_119 = arith.addf %add3A_104, %mul3A_118 : vector<128x128xf32>
    %eq3A_120 = arith.constant 2 : i32
    %eq3A_121 = vector.broadcast %eq3A_120 : i32 to vector<128x1xi32>
    %eq3A_122 = arith.cmpi eq, %get3A_90, %eq3A_121 : vector<128x1xi32>
    %jit3A_123 = arith.constant 1.000000e+00 : f32
    %jit3A_124 = arith.constant 0.000000e+00 : f32
    %broadcast_in_dim3A_125 = vector.broadcast %jit3A_123 : f32 to vector<128x1xf32>
    %broadcast_in_dim3A_126 = vector.broadcast %jit3A_124 : f32 to vector<128x1xf32>
    %select_n3A_127 = arith.select %eq3A_122, %broadcast_in_dim3A_125, %broadcast_in_dim3A_126 : vector<128x1xi1>, vector<128x1xf32>
    %get3A_128 = arith.constant 2 : index
    %get3A_129 = arith.constant 0 : index
    %get3A_130 = vector.load %arg4[%get3A_128, %get3A_129] : memref<16x128xf32, #tpu.memory_space<vmem>>, vector<1x128xf32>
    %mul3A_131 = vector.broadcast %select_n3A_127 : vector<128x1xf32> to vector<128x128xf32>
    %mul3A_132 = vector.broadcast %get3A_130 : vector<1x128xf32> to vector<128x128xf32>
    %mul3A_133 = arith.mulf %mul3A_131, %mul3A_132 : vector<128x128xf32>
    %add3A_134 = arith.addf %add3A_119, %mul3A_133 : vector<128x128xf32>
    %eq3A_135 = arith.constant 3 : i32
    %eq3A_136 = vector.broadcast %eq3A_135 : i32 to vector<128x1xi32>
    %eq3A_137 = arith.cmpi eq, %get3A_90, %eq3A_136 : vector<128x1xi32>
    %jit3A_138 = arith.constant 1.000000e+00 : f32
    %jit3A_139 = arith.constant 0.000000e+00 : f32
    %broadcast_in_dim3A_140 = vector.broadcast %jit3A_138 : f32 to vector<128x1xf32>
    %broadcast_in_dim3A_141 = vector.broadcast %jit3A_139 : f32 to vector<128x1xf32>
    %select_n3A_142 = arith.select %eq3A_137, %broadcast_in_dim3A_140, %broadcast_in_dim3A_141 : vector<128x1xi1>, vector<128x1xf32>
    %get3A_143 = arith.constant 3 : index
    %get3A_144 = arith.constant 0 : index
    %get3A_145 = vector.load %arg4[%get3A_143, %get3A_144] : memref<16x128xf32, #tpu.memory_space<vmem>>, vector<1x128xf32>
    %mul3A_146 = vector.broadcast %select_n3A_142 : vector<128x1xf32> to vector<128x128xf32>
    %mul3A_147 = vector.broadcast %get3A_145 : vector<1x128xf32> to vector<128x128xf32>
    %mul3A_148 = arith.mulf %mul3A_146, %mul3A_147 : vector<128x128xf32>
    %add3A_149 = arith.addf %add3A_134, %mul3A_148 : vector<128x128xf32>
    %eq3A_150 = arith.constant 4 : i32
    %eq3A_151 = vector.broadcast %eq3A_150 : i32 to vector<128x1xi32>
    %eq3A_152 = arith.cmpi eq, %get3A_90, %eq3A_151 : vector<128x1xi32>
    %jit3A_153 = arith.constant 1.000000e+00 : f32
    %jit3A_154 = arith.constant 0.000000e+00 : f32
    %broadcast_in_dim3A_155 = vector.broadcast %jit3A_153 : f32 to vector<128x1xf32>
    %broadcast_in_dim3A_156 = vector.broadcast %jit3A_154 : f32 to vector<128x1xf32>
    %select_n3A_157 = arith.select %eq3A_152, %broadcast_in_dim3A_155, %broadcast_in_dim3A_156 : vector<128x1xi1>, vector<128x1xf32>
    %get3A_158 = arith.constant 4 : index
    %get3A_159 = arith.constant 0 : index
    %get3A_160 = vector.load %arg4[%get3A_158, %get3A_159] : memref<16x128xf32, #tpu.memory_space<vmem>>, vector<1x128xf32>
    %mul3A_161 = vector.broadcast %select_n3A_157 : vector<128x1xf32> to vector<128x128xf32>
    %mul3A_162 = vector.broadcast %get3A_160 : vector<1x128xf32> to vector<128x128xf32>
    %mul3A_163 = arith.mulf %mul3A_161, %mul3A_162 : vector<128x128xf32>
    %add3A_164 = arith.addf %add3A_149, %mul3A_163 : vector<128x128xf32>
    %eq3A_165 = arith.constant 5 : i32
    %eq3A_166 = vector.broadcast %eq3A_165 : i32 to vector<128x1xi32>
    %eq3A_167 = arith.cmpi eq, %get3A_90, %eq3A_166 : vector<128x1xi32>
    %jit3A_168 = arith.constant 1.000000e+00 : f32
    %jit3A_169 = arith.constant 0.000000e+00 : f32
    %broadcast_in_dim3A_170 = vector.broadcast %jit3A_168 : f32 to vector<128x1xf32>
    %broadcast_in_dim3A_171 = vector.broadcast %jit3A_169 : f32 to vector<128x1xf32>
    %select_n3A_172 = arith.select %eq3A_167, %broadcast_in_dim3A_170, %broadcast_in_dim3A_171 : vector<128x1xi1>, vector<128x1xf32>
    %get3A_173 = arith.constant 5 : index
    %get3A_174 = arith.constant 0 : index
    %get3A_175 = vector.load %arg4[%get3A_173, %get3A_174] : memref<16x128xf32, #tpu.memory_space<vmem>>, vector<1x128xf32>
    %mul3A_176 = vector.broadcast %select_n3A_172 : vector<128x1xf32> to vector<128x128xf32>
    %mul3A_177 = vector.broadcast %get3A_175 : vector<1x128xf32> to vector<128x128xf32>
    %mul3A_178 = arith.mulf %mul3A_176, %mul3A_177 : vector<128x128xf32>
    %add3A_179 = arith.addf %add3A_164, %mul3A_178 : vector<128x128xf32>
    %eq3A_180 = arith.constant 6 : i32
    %eq3A_181 = vector.broadcast %eq3A_180 : i32 to vector<128x1xi32>
    %eq3A_182 = arith.cmpi eq, %get3A_90, %eq3A_181 : vector<128x1xi32>
    %jit3A_183 = arith.constant 1.000000e+00 : f32
    %jit3A_184 = arith.constant 0.000000e+00 : f32
    %broadcast_in_dim3A_185 = vector.broadcast %jit3A_183 : f32 to vector<128x1xf32>
    %broadcast_in_dim3A_186 = vector.broadcast %jit3A_184 : f32 to vector<128x1xf32>
    %select_n3A_187 = arith.select %eq3A_182, %broadcast_in_dim3A_185, %broadcast_in_dim3A_186 : vector<128x1xi1>, vector<128x1xf32>
    %get3A_188 = arith.constant 6 : index
    %get3A_189 = arith.constant 0 : index
    %get3A_190 = vector.load %arg4[%get3A_188, %get3A_189] : memref<16x128xf32, #tpu.memory_space<vmem>>, vector<1x128xf32>
    %mul3A_191 = vector.broadcast %select_n3A_187 : vector<128x1xf32> to vector<128x128xf32>
    %mul3A_192 = vector.broadcast %get3A_190 : vector<1x128xf32> to vector<128x128xf32>
    %mul3A_193 = arith.mulf %mul3A_191, %mul3A_192 : vector<128x128xf32>
    %add3A_194 = arith.addf %add3A_179, %mul3A_193 : vector<128x128xf32>
    %eq3A_195 = arith.constant 7 : i32
    %eq3A_196 = vector.broadcast %eq3A_195 : i32 to vector<128x1xi32>
    %eq3A_197 = arith.cmpi eq, %get3A_90, %eq3A_196 : vector<128x1xi32>
    %jit3A_198 = arith.constant 1.000000e+00 : f32
    %jit3A_199 = arith.constant 0.000000e+00 : f32
    %broadcast_in_dim3A_200 = vector.broadcast %jit3A_198 : f32 to vector<128x1xf32>
    %broadcast_in_dim3A_201 = vector.broadcast %jit3A_199 : f32 to vector<128x1xf32>
    %select_n3A_202 = arith.select %eq3A_197, %broadcast_in_dim3A_200, %broadcast_in_dim3A_201 : vector<128x1xi1>, vector<128x1xf32>
    %get3A_203 = arith.constant 7 : index
    %get3A_204 = arith.constant 0 : index
    %get3A_205 = vector.load %arg4[%get3A_203, %get3A_204] : memref<16x128xf32, #tpu.memory_space<vmem>>, vector<1x128xf32>
    %mul3A_206 = vector.broadcast %select_n3A_202 : vector<128x1xf32> to vector<128x128xf32>
    %mul3A_207 = vector.broadcast %get3A_205 : vector<1x128xf32> to vector<128x128xf32>
    %mul3A_208 = arith.mulf %mul3A_206, %mul3A_207 : vector<128x128xf32>
    %add3A_209 = arith.addf %add3A_194, %mul3A_208 : vector<128x128xf32>
    %eq3A_210 = arith.constant 8 : i32
    %eq3A_211 = vector.broadcast %eq3A_210 : i32 to vector<128x1xi32>
    %eq3A_212 = arith.cmpi eq, %get3A_90, %eq3A_211 : vector<128x1xi32>
    %jit3A_213 = arith.constant 1.000000e+00 : f32
    %jit3A_214 = arith.constant 0.000000e+00 : f32
    %broadcast_in_dim3A_215 = vector.broadcast %jit3A_213 : f32 to vector<128x1xf32>
    %broadcast_in_dim3A_216 = vector.broadcast %jit3A_214 : f32 to vector<128x1xf32>
    %select_n3A_217 = arith.select %eq3A_212, %broadcast_in_dim3A_215, %broadcast_in_dim3A_216 : vector<128x1xi1>, vector<128x1xf32>
    %get3A_218 = arith.constant 8 : index
    %get3A_219 = arith.constant 0 : index
    %get3A_220 = vector.load %arg4[%get3A_218, %get3A_219] : memref<16x128xf32, #tpu.memory_space<vmem>>, vector<1x128xf32>
    %mul3A_221 = vector.broadcast %select_n3A_217 : vector<128x1xf32> to vector<128x128xf32>
    %mul3A_222 = vector.broadcast %get3A_220 : vector<1x128xf32> to vector<128x128xf32>
    %mul3A_223 = arith.mulf %mul3A_221, %mul3A_222 : vector<128x128xf32>
    %add3A_224 = arith.addf %add3A_209, %mul3A_223 : vector<128x128xf32>
    %eq3A_225 = arith.constant 9 : i32
    %eq3A_226 = vector.broadcast %eq3A_225 : i32 to vector<128x1xi32>
    %eq3A_227 = arith.cmpi eq, %get3A_90, %eq3A_226 : vector<128x1xi32>
    %jit3A_228 = arith.constant 1.000000e+00 : f32
    %jit3A_229 = arith.constant 0.000000e+00 : f32
    %broadcast_in_dim3A_230 = vector.broadcast %jit3A_228 : f32 to vector<128x1xf32>
    %broadcast_in_dim3A_231 = vector.broadcast %jit3A_229 : f32 to vector<128x1xf32>
    %select_n3A_232 = arith.select %eq3A_227, %broadcast_in_dim3A_230, %broadcast_in_dim3A_231 : vector<128x1xi1>, vector<128x1xf32>
    %get3A_233 = arith.constant 9 : index
    %get3A_234 = arith.constant 0 : index
    %get3A_235 = vector.load %arg4[%get3A_233, %get3A_234] : memref<16x128xf32, #tpu.memory_space<vmem>>, vector<1x128xf32>
    %mul3A_236 = vector.broadcast %select_n3A_232 : vector<128x1xf32> to vector<128x128xf32>
    %mul3A_237 = vector.broadcast %get3A_235 : vector<1x128xf32> to vector<128x128xf32>
    %mul3A_238 = arith.mulf %mul3A_236, %mul3A_237 : vector<128x128xf32>
    %add3A_239 = arith.addf %add3A_224, %mul3A_238 : vector<128x128xf32>
    %eq3A_240 = arith.constant 10 : i32
    %eq3A_241 = vector.broadcast %eq3A_240 : i32 to vector<128x1xi32>
    %eq3A_242 = arith.cmpi eq, %get3A_90, %eq3A_241 : vector<128x1xi32>
    %jit3A_243 = arith.constant 1.000000e+00 : f32
    %jit3A_244 = arith.constant 0.000000e+00 : f32
    %broadcast_in_dim3A_245 = vector.broadcast %jit3A_243 : f32 to vector<128x1xf32>
    %broadcast_in_dim3A_246 = vector.broadcast %jit3A_244 : f32 to vector<128x1xf32>
    %select_n3A_247 = arith.select %eq3A_242, %broadcast_in_dim3A_245, %broadcast_in_dim3A_246 : vector<128x1xi1>, vector<128x1xf32>
    %get3A_248 = arith.constant 10 : index
    %get3A_249 = arith.constant 0 : index
    %get3A_250 = vector.load %arg4[%get3A_248, %get3A_249] : memref<16x128xf32, #tpu.memory_space<vmem>>, vector<1x128xf32>
    %mul3A_251 = vector.broadcast %select_n3A_247 : vector<128x1xf32> to vector<128x128xf32>
    %mul3A_252 = vector.broadcast %get3A_250 : vector<1x128xf32> to vector<128x128xf32>
    %mul3A_253 = arith.mulf %mul3A_251, %mul3A_252 : vector<128x128xf32>
    %add3A_254 = arith.addf %add3A_239, %mul3A_253 : vector<128x128xf32>
    %eq3A_255 = arith.constant 11 : i32
    %eq3A_256 = vector.broadcast %eq3A_255 : i32 to vector<128x1xi32>
    %eq3A_257 = arith.cmpi eq, %get3A_90, %eq3A_256 : vector<128x1xi32>
    %jit3A_258 = arith.constant 1.000000e+00 : f32
    %jit3A_259 = arith.constant 0.000000e+00 : f32
    %broadcast_in_dim3A_260 = vector.broadcast %jit3A_258 : f32 to vector<128x1xf32>
    %broadcast_in_dim3A_261 = vector.broadcast %jit3A_259 : f32 to vector<128x1xf32>
    %select_n3A_262 = arith.select %eq3A_257, %broadcast_in_dim3A_260, %broadcast_in_dim3A_261 : vector<128x1xi1>, vector<128x1xf32>
    %get3A_263 = arith.constant 11 : index
    %get3A_264 = arith.constant 0 : index
    %get3A_265 = vector.load %arg4[%get3A_263, %get3A_264] : memref<16x128xf32, #tpu.memory_space<vmem>>, vector<1x128xf32>
    %mul3A_266 = vector.broadcast %select_n3A_262 : vector<128x1xf32> to vector<128x128xf32>
    %mul3A_267 = vector.broadcast %get3A_265 : vector<1x128xf32> to vector<128x128xf32>
    %mul3A_268 = arith.mulf %mul3A_266, %mul3A_267 : vector<128x128xf32>
    %add3A_269 = arith.addf %add3A_254, %mul3A_268 : vector<128x128xf32>
    %eq3A_270 = arith.constant 12 : i32
    %eq3A_271 = vector.broadcast %eq3A_270 : i32 to vector<128x1xi32>
    %eq3A_272 = arith.cmpi eq, %get3A_90, %eq3A_271 : vector<128x1xi32>
    %jit3A_273 = arith.constant 1.000000e+00 : f32
    %jit3A_274 = arith.constant 0.000000e+00 : f32
    %broadcast_in_dim3A_275 = vector.broadcast %jit3A_273 : f32 to vector<128x1xf32>
    %broadcast_in_dim3A_276 = vector.broadcast %jit3A_274 : f32 to vector<128x1xf32>
    %select_n3A_277 = arith.select %eq3A_272, %broadcast_in_dim3A_275, %broadcast_in_dim3A_276 : vector<128x1xi1>, vector<128x1xf32>
    %get3A_278 = arith.constant 12 : index
    %get3A_279 = arith.constant 0 : index
    %get3A_280 = vector.load %arg4[%get3A_278, %get3A_279] : memref<16x128xf32, #tpu.memory_space<vmem>>, vector<1x128xf32>
    %mul3A_281 = vector.broadcast %select_n3A_277 : vector<128x1xf32> to vector<128x128xf32>
    %mul3A_282 = vector.broadcast %get3A_280 : vector<1x128xf32> to vector<128x128xf32>
    %mul3A_283 = arith.mulf %mul3A_281, %mul3A_282 : vector<128x128xf32>
    %add3A_284 = arith.addf %add3A_269, %mul3A_283 : vector<128x128xf32>
    %eq3A_285 = arith.constant 13 : i32
    %eq3A_286 = vector.broadcast %eq3A_285 : i32 to vector<128x1xi32>
    %eq3A_287 = arith.cmpi eq, %get3A_90, %eq3A_286 : vector<128x1xi32>
    %jit3A_288 = arith.constant 1.000000e+00 : f32
    %jit3A_289 = arith.constant 0.000000e+00 : f32
    %broadcast_in_dim3A_290 = vector.broadcast %jit3A_288 : f32 to vector<128x1xf32>
    %broadcast_in_dim3A_291 = vector.broadcast %jit3A_289 : f32 to vector<128x1xf32>
    %select_n3A_292 = arith.select %eq3A_287, %broadcast_in_dim3A_290, %broadcast_in_dim3A_291 : vector<128x1xi1>, vector<128x1xf32>
    %get3A_293 = arith.constant 13 : index
    %get3A_294 = arith.constant 0 : index
    %get3A_295 = vector.load %arg4[%get3A_293, %get3A_294] : memref<16x128xf32, #tpu.memory_space<vmem>>, vector<1x128xf32>
    %mul3A_296 = vector.broadcast %select_n3A_292 : vector<128x1xf32> to vector<128x128xf32>
    %mul3A_297 = vector.broadcast %get3A_295 : vector<1x128xf32> to vector<128x128xf32>
    %mul3A_298 = arith.mulf %mul3A_296, %mul3A_297 : vector<128x128xf32>
    %add3A_299 = arith.addf %add3A_284, %mul3A_298 : vector<128x128xf32>
    %eq3A_300 = arith.constant 14 : i32
    %eq3A_301 = vector.broadcast %eq3A_300 : i32 to vector<128x1xi32>
    %eq3A_302 = arith.cmpi eq, %get3A_90, %eq3A_301 : vector<128x1xi32>
    %jit3A_303 = arith.constant 1.000000e+00 : f32
    %jit3A_304 = arith.constant 0.000000e+00 : f32
    %broadcast_in_dim3A_305 = vector.broadcast %jit3A_303 : f32 to vector<128x1xf32>
    %broadcast_in_dim3A_306 = vector.broadcast %jit3A_304 : f32 to vector<128x1xf32>
    %select_n3A_307 = arith.select %eq3A_302, %broadcast_in_dim3A_305, %broadcast_in_dim3A_306 : vector<128x1xi1>, vector<128x1xf32>
    %get3A_308 = arith.constant 14 : index
    %get3A_309 = arith.constant 0 : index
    %get3A_310 = vector.load %arg4[%get3A_308, %get3A_309] : memref<16x128xf32, #tpu.memory_space<vmem>>, vector<1x128xf32>
    %mul3A_311 = vector.broadcast %select_n3A_307 : vector<128x1xf32> to vector<128x128xf32>
    %mul3A_312 = vector.broadcast %get3A_310 : vector<1x128xf32> to vector<128x128xf32>
    %mul3A_313 = arith.mulf %mul3A_311, %mul3A_312 : vector<128x128xf32>
    %add3A_314 = arith.addf %add3A_299, %mul3A_313 : vector<128x128xf32>
    %eq3A_315 = arith.constant 15 : i32
    %eq3A_316 = vector.broadcast %eq3A_315 : i32 to vector<128x1xi32>
    %eq3A_317 = arith.cmpi eq, %get3A_90, %eq3A_316 : vector<128x1xi32>
    %jit3A_318 = arith.constant 1.000000e+00 : f32
    %jit3A_319 = arith.constant 0.000000e+00 : f32
    %broadcast_in_dim3A_320 = vector.broadcast %jit3A_318 : f32 to vector<128x1xf32>
    %broadcast_in_dim3A_321 = vector.broadcast %jit3A_319 : f32 to vector<128x1xf32>
    %select_n3A_322 = arith.select %eq3A_317, %broadcast_in_dim3A_320, %broadcast_in_dim3A_321 : vector<128x1xi1>, vector<128x1xf32>
    %get3A_323 = arith.constant 15 : index
    %get3A_324 = arith.constant 0 : index
    %get3A_325 = vector.load %arg4[%get3A_323, %get3A_324] : memref<16x128xf32, #tpu.memory_space<vmem>>, vector<1x128xf32>
    %mul3A_326 = vector.broadcast %select_n3A_322 : vector<128x1xf32> to vector<128x128xf32>
    %mul3A_327 = vector.broadcast %get3A_325 : vector<1x128xf32> to vector<128x128xf32>
    %mul3A_328 = arith.mulf %mul3A_326, %mul3A_327 : vector<128x128xf32>
    %add3A_329 = arith.addf %add3A_314, %mul3A_328 : vector<128x128xf32>
    %swap3A_330 = arith.constant 0 : index
    %swap3A_331 = arith.constant 0 : index
    %swap3A_332 = vector.load %arg7[%swap3A_330, %swap3A_331] : memref<128x128xf32, #tpu.memory_space<vmem>>, vector<128x128xf32>
    tpu.vector_store %arg7[%swap3A_330, %swap3A_331], %add3A_329 {strides = array<i32>} : memref<128x128xf32, #tpu.memory_space<vmem>>, vector<128x128xf32>,
    return
  }
  func.func @transform_0(%arg0: i32) -> (i32, i32) {
    %c0_i32 = arith.constant 0 : i32
    %c0_i32_0 = arith.constant 0 : i32
    %c0_i32_1 = arith.constant 0 : i32
    return %c0_i32, %c0_i32_0 : i32, i32
  }
  func.func @transform_1(%arg0: i32) -> (i32, i32) {
    %c0_i32 = arith.constant 0 : i32
    %c0_i32_0 = arith.constant 0 : i32
    %c0_i32_1 = arith.constant 0 : i32
    return %c0_i32, %c0_i32_0 : i32, i32
  }
  func.func @transform_2(%arg0: i32) -> (i32, i32) {
    %c0_i32 = arith.constant 0 : i32
    %c0_i32_0 = arith.constant 0 : i32
    %c0_i32_1 = arith.constant 0 : i32
    return %c0_i32, %c0_i32_0 : i32, i32
  }
  func.func @transform_3(%arg0: i32) -> (i32, i32) {
    %c0_i32 = arith.constant 0 : i32
    %c0_i32_0 = arith.constant 0 : i32
    %c0_i32_1 = arith.constant 0 : i32
    return %c0_i32, %c0_i32_0 : i32, i32
  }
  func.func @transform_4(%arg0: i32) -> (i32, i32) {
    %c0_i32 = arith.constant 0 : i32
    %c0_i32_0 = arith.constant 0 : i32
    %c0_i32_1 = arith.constant 0 : i32
    return %c0_i32, %c0_i32_0 : i32, i32
  }
  func.func @transform_5(%arg0: i32) -> (i32, i32) {
    %c0_i32 = arith.constant 0 : i32
    %c0_i32_0 = arith.constant 0 : i32
    return %arg0, %c0_i32 : i32, i32
  }
  func.func @transform_6(%arg0: i32) -> (i32, i32) {
    %c0_i32 = arith.constant 0 : i32
    %c0_i32_0 = arith.constant 0 : i32
    return %arg0, %c0_i32 : i32, i32
  }
}

</mosaic_0001>

<sc_bundles>
// kernel: kernel.5.cloned.1.call-start
scs
__scs_entry_jumppad:
0x0: {  	(pc) =	sbr.rel $0x88, $3  }
0x1: {  	(tag) =	ssettag $0x0;
	lr =	simm.s32 $0x1  }
0x2: {  	[smem:$0x3F99] =	sst lr;
	_ =	strace $0xD0000000  }
0x3: {  	_ = 	snop  }
0x4: {  	_ = 	snop  }
0x5: {  	_ = 	snop  }
0x6: {  	_ = 	snop  }
0x7: {  	_ = 	snop  }
__scs_overlays_trampoline_lowered:
0x8: {  	[smem:$0x3FA8] =	sst s0  }
0x9: {  	[smem:$0x3FA9] =	sst s1  }
0xa: {  	[smem:$0x3FAA] =	sst s2  }
0xb: {  	[smem:$0x3FAB] =	sst s3  }
0xc: {  	[smem:$0x3FAC] =	sst s4  }
0xd: {  	[smem:$0x3FAD] =	sst s5  }
0xe: {  	[smem:$0x3FAE] =	sst s6  }
0xf: {  	[smem:$0x3FAF] =	sst s7  }
0x10: {  	[smem:$0x3FB0] =	sst s8  }
0x11: {  	[smem:$0x3FB1] =	sst s9;
	s0 =	simm.s32 @!p0 $0x0  }
0x12: {  	s1 =	sld [smem:$0x3F97];
	s0 =	simm.s32 @p0 $0x1  }
0x13: {  	[smem:$0x3FB2] =	sst s0;
	s0 =	simm.s32 @!p1 $0x0  }
0x14: {  	s2 =	sld [smem:$0x3F96];
	s0 =	simm.s32 @p1 $0x1  }
0x15: {  	[smem:$0x3FB3] =	sst s0;
	s0 =	simm.s32 @!p2 $0x0  }
0x16: {  	s3 =	sld [smem:$0x3FDB];
	s0 =	simm.s32 @p2 $0x1  }
0x17: {  	s4 =	simm.s32 $0x1BF5;
	[smem:$0x3FB5] =	sst s0  }
0x18: {  	s0 =	sld [smem:$0x3F98];
	_ =	swait.ge [sflag:s4], $0x0  }
0x19: {  	s7 =	sld [smem:$0x3F99]  }
0x1a: {  	s8 =	sadd.s32 $0xFFFFE003, lr  }
0x1b: {  	s9 =	sadd.s32 $0xFFFFFEF7, lr;
	s5 =	simm.s32 $0xFFFFFFFF;
	p2 =	slt.u32 s8, $0xFFFFF086  }
0x1c: {  	p1 =	slt.u32 s9, $0xF7A;
	s5 =	simm.s32 @!p2 $0x0  }
0x1d: {  	s5 =	simm.s32 @p1 $0x1;
	p0 =	seq.s32 s7, s2  }
0x1e: {  	s7 =	smul.u32 @!p0 $0xF7A, s2;
	p2 =	seq.s32 @!p0 s5, $0x0  }
0x1f: {  	s9 =	smul.u32 $0xF7A, s1;
	s8 =	simm.s32 @!p0 $0x1BF5;
	p2 =	por !p2, p0  }
0x20: {  	[sflag:s8] =	ssyncset.s32 @!p0 $0xFFFFF086;
	s6 =	sadd.s32 @!p0 s3, s7;
	s7 =	simm.s32 @!p0 $0x108  }
0x21: {  	s3 =	sadd.s32 s3, s9;
	s6 =	sadd.s32 @!p0 $0x88, s6;
	s7 =	simm.s32 @p2 $0x1082  }
0x22: {  	[simem:s7], [sflag:s8] =	dma.local @!p0 [hbm:s6], $0xF7A  }
0x23: {  	s9 =	sor.u32 $0xD0000000, s2;
	s6 =	simm.s32 $0x108;
	_ =	swait.ge @!p0 [sflag:s8], $0x0  }
0x24: {  	s3 =	sadd.s32 $0x88, s3;
	s6 =	simm.s32 @!p1 $0x1082;
	[sflag:s4] =	ssyncset.s32 $0xFFFFF086  }
0x25: {  	[simem:s6], [sflag:s4] =	dma.local [hbm:s3], $0xF7A  }
0x26: {  	[smem:$0x3F99] =	sst s1;
	(tag) =	ssettag s2;
	_ =	strace s9  }
0x27: {  	s1 =	sld [smem:$0x3FA9]  }
0x28: {  	s2 =	sld [smem:$0x3FAA]  }
0x29: {  	s4 =	sld [smem:$0x3FAC]  }
0x2a: {  	p0 =	seq.s32 s5, $0x0;
	s5 =	sld [smem:$0x3FAD]  }
0x2b: {  	s6 =	sld [smem:$0x3FAE]  }
0x2c: {  	s7 =	sld [smem:$0x3FAF]  }
0x2d: {  	s3 =	simm.s32 $0x108;
	s8 =	sld [smem:$0x3FB0]  }
0x2e: {  	s3 =	simm.s32 @!p0 $0x1082;
	s9 =	sld [smem:$0x3FB1]  }
0x2f: {  	lr =	sadd.s32 s0, s3;
	s0 =	sld [smem:$0x3FA8]  }
0x30: {  	s3 =	sld [smem:$0x3FAB]  }
0x31: {  	[smem:$0x3FB4] =	sst s10  }
0x32: {  	s10 =	sld [smem:$0x3FB2];
	_ =	sdelay $0x3  }
0x33: {  	p0 =	seq.s32 s10, $0x1;
	s10 =	sld [smem:$0x3FB4];
	_ =	sdelay $0x3  }
0x34: {  	[smem:$0x3FB4] =	sst s10  }
0x35: {  	s10 =	sld [smem:$0x3FB3];
	_ =	sdelay $0x3  }
0x36: {  	p1 =	seq.s32 s10, $0x1;
	s10 =	sld [smem:$0x3FB4];
	_ =	sdelay $0x3  }
0x37: {  	[smem:$0x3FB4] =	sst s10  }
0x38: {  	s10 =	sld [smem:$0x3FB5]  }
0x39: {  	_ = 	snop;
	(pc) =	sbr.ind lr, $3  }
0x3a: {  	_ = 	snop  }
0x3b: {  	_ = 	snop  }
0x3c: {  	p2 =	seq.s32 s10, $0x1;
	s10 =	sld [smem:$0x3FB4]  }
0x3d: {  	_ =	shalt  }
0x3e: {  	_ =	shalt  }
0x3f: {  	_ =	shalt  }
0x40: {  	_ =	shalt  }
0x41: {  	_ =	shalt  }
0x42: {  	_ =	shalt  }
0x43: {  	_ =	shalt  }
0x44: {  	_ =	shalt  }
0x45: {  	_ =	shalt  }
0x46: {  	_ =	shalt  }
0x47: {  	_ =	shalt  }
0x48: {  	_ =	shalt  }
0x49: {  	_ =	shalt  }
0x4a: {  	_ =	shalt  }
0x4b: {  	_ =	shalt  }
0x4c: {  	_ =	shalt  }
0x4d: {  	_ =	shalt  }
0x4e: {  	_ =	shalt  }
0x4f: {  	_ =	shalt  }
0x50: {  	_ =	shalt  }
0x51: {  	_ =	shalt  }
0x52: {  	_ =	shalt  }
0x53: {  	_ =	shalt  }
0x54: {  	_ =	shalt  }
0x55: {  	_ =	shalt  }
0x56: {  	_ =	shalt  }
0x57: {  	_ =	shalt  }
0x58: {  	_ =	shalt  }
0x59: {  	_ =	shalt  }
0x5a: {  	_ =	shalt  }
0x5b: {  	_ =	shalt  }
0x5c: {  	_ =	shalt  }
0x5d: {  	_ =	shalt  }
0x5e: {  	_ =	shalt  }
0x5f: {  	_ =	shalt  }
0x60: {  	_ =	shalt  }
0x61: {  	_ =	shalt  }
0x62: {  	_ =	shalt  }
0x63: {  	_ =	shalt  }
0x64: {  	_ =	shalt  }
0x65: {  	_ =	shalt  }
0x66: {  	_ =	shalt  }
0x67: {  	_ =	shalt  }
0x68: {  	_ =	shalt  }
0x69: {  	_ =	shalt  }
0x6a: {  	_ =	shalt  }
0x6b: {  	_ =	shalt  }
0x6c: {  	_ =	shalt  }
0x6d: {  	_ =	shalt  }
0x6e: {  	_ =	shalt  }
0x6f: {  	_ =	shalt  }
0x70: {  	_ =	shalt  }
0x71: {  	_ =	shalt  }
0x72: {  	_ =	shalt  }
0x73: {  	_ =	shalt  }
0x74: {  	_ =	shalt  }
0x75: {  	_ =	shalt  }
0x76: {  	_ =	shalt  }
0x77: {  	_ =	shalt  }
0x78: {  	_ =	shalt  }
0x79: {  	_ =	shalt  }
0x7a: {  	_ =	shalt  }
0x7b: {  	_ =	shalt  }
0x7c: {  	_ =	shalt  }
0x7d: {  	_ =	shalt  }
0x7e: {  	_ =	shalt  }
0x7f: {  	_ =	shalt  }
0x80: {  	_ =	shalt  }
0x81: {  	_ =	shalt  }
0x82: {  	_ =	shalt  }
0x83: {  	_ =	shalt  }
0x84: {  	_ =	shalt  }
0x85: {  	_ =	shalt  }
0x86: {  	_ =	shalt  }
0x87: {  	_ =	shalt  }
.Lfunc_end0:
.L_simem_size_0:
called_computation_lowered:
.L_overlay_start_0:
0x88: {  	s2 =	sld [smem:$0x3FD9]  }
0x89: {  	s3 =	sld [smem:$0x3FFE];
	_ =	sdelay $0x1  }
0x8a: {  	s1 =	srdreg.scid  }
0x8b: {  	s0 =	sand.u32 $0x1, s1  }
0x8c: {  	s16 =	sshll.u32 s0, $0xA;
	s2 =	sadd.s32 s3, s2  }
0x8d: {  	s2 =	sadd.s32 s2, s16  }
0x8e: {  	[smem:$0x3FC0] =	sst s2  }
0x8f: {  	_ = 	snop  }
0x90: {  	(tm) =	ssettm $0x1  }
0x91: {  	s17 =	sld [smem:$0x3FFB];
	_ =	sdelay $0x3  }
0x92: {  	_ =	strace s17  }
0x93: {  	s2 =	sld [smem:$0x3FFC];
	_ =	sdelay $0x3  }
0x94: {  	_ =	strace s2  }
0x95: {  	s2 =	sld [smem:$0x3FFD];
	_ =	sdelay $0x3  }
0x96: {  	_ =	strace s2  }
0x97: {  	_ =	strace $0x8FFFFFFF  }
0x98: {  	s18 =	sld [smem:$0x3FDB];
	_ =	sdelay $0x1  }
0x99: {  	s19 =	simm.s32 $_scs_section_size  }
0x9a: {  	s4 =	simm.s32 $_size__tile_overlayer_lowered;
	s5 =	simm.s32 $_tile_overlayer_lowered  }
0x9b: {  	s22 =	simm.s32 $0x1BFF;
	s21 =	sshll.u32 s5, $0x1;
	s2 =	sadd.s32 s19, s18  }
0x9c: {  	s6 =	simm.s32 $0x0;
	s20 =	sshll.u32 s4, $0x1;
	s4 =	sadd.s32 s21, s2  }
0x9d: {  	[timem:s6], [sflag:s22] =	dma.local [hbm:s4], s20  }
0x9e: {  	_ =	swait.ge [sflag:s22], s20  }
0x9f: {  	s3 =	ssub.s32 $0x0, s20;
	[sflag:s22] =	ssyncset.done $0x0  }
0xa0: {  	[sflag:s22] =	ssyncadd.s32 s3;
	_ =	sdelay $0x1  }
0xa1: {  	s23 =	simm.s32 $0x1B8B  }
0xa2: {  	_ =	swait.ge [sflag:s23], $0x1  }
0xa3: {  	[sflag:s23] =	ssyncset.done $0x0  }
0xa4: {  	s25 =	simm.s32 $0x1B8E;
	s24 =	sld [smem:$0x3FFE];
	[sflag:s23] =	ssyncadd.s32 $0xFFFFFFFF  }
0xa5: {  	s26 =	simm.s32 $execute0_lowered;
	[smem:$0x3FD2] =	sst s25  }
0xa6: {  	s4 =	sshll.u32 s26, $0x1;
	_ =	strace $0x80000046;
	[dreg:$0x1] =	wrdreg $0xFFFFFFFF  }
0xa7: {  	s28 =	simm.s32 $_size_execute0_lowered;
	s2 =	sadd.s32 s2, s4;
	[dreg:$0x0] =	wrdreg $0x0  }
0xa8: {  	s4 =	sshll.u32 s28, $0x1;
	[dreg:$0x2] =	wrdreg s2  }
0xa9: {  	[dreg:$0x3] =	wrdreg s4  }
0xaa: {  	[dreg:$0x4] =	wrdreg $0xC0  }
0xab: {  	_ =	task [dreg:s6], $0x5FFFF  }
0xac: {  	[dreg:$0x1] =	wrdreg $0xFFFFFFFF  }
0xad: {  	[dreg:$0x0] =	wrdreg $0x60  }
0xae: {  	[dreg:$0x2] =	wrdreg s24  }
0xaf: {  	[dreg:$0x3] =	wrdreg $0x16D000  }
0xb0: {  	[dreg:$0x4] =	wrdreg $0x9  }
0xb1: {  	_ =	task.clear_ibuf [dreg:s6], $0x5FFFF;
	_ =	strace $0x90000046  }
0xb2: {  	s29 =	simm.s32 $0x9;
	_ =	strace $0x80000048  }
0xb3: {  	_ =	swait.ge [sflag:s29], $0x1  }
0xb4: {  	[sflag:s29] =	ssyncadd.s32 $0xFFFFFFFF  }
0xb5: {  	_ =	strace $0x90000048  }
0xb6: {  	_ =	sfence  }
0xb7: {  	s30 =	sld [smem:$0x0];
	_ =	sdelay $0x2  }
0xb8: {  	s31 =	sshll.u32 s1, $0xD;
	s1 =	sshrl.u32 s1, $0x2  }
0xb9: {  	s3 =	sand.u32 $0x4000, s31;
	s1 =	sadd.s32 s1, s30  }
0xba: {  	s0 =	sor.u32 s3, s0;
	s1 =	sshll.u32 s1, $0x11  }
0xbb: {  	s0 =	sor.u32 s1, s0  }
0xbc: {  	s0 =	sadd.s32 $0x8F2B, s0  }
0xbd: {  	[sflag:s0] =	ssyncadd.remote.s32 $0x1  }
0xbe: {  	_ =	sfence.sel $0xFFFF  }
0xbf: {  	[dreg:$0x0] =	wrdreg $0xFFFFFFFF;
	(pc) =	sbr.abs _section_cstart, $3  }
0xc0: {  	[dreg:$0x1] =	wrdreg $0xFFFFFFFF  }
0xc1: {  	_ =	task.clear_ibuf [dreg:s6], $0x2FFFF;
	_ =	strace $0x9FFFFFFF  }
0xc2: {  	(tm) =	ssettm $0x7FFFFFFF  }
0xc3: {  	_ =	shalt  }
tec
execute0_lowered:
.L_overlay_start_1:
0x0: {  	(tag) =	ssettag $0x1  }
0x1: {  	s0 =	rddreg [dreg:$0x0];
	s2 =	srdreg.scid  }
0x2: {  	s3 =	stileid.u32;
	s1 =	rddreg [dreg:$0x1]  }
0x3: {  	s14 =	simm.s32 $0x5;
	s15 =	simm.s32 $0x2000;
	s16 =	simm.s32 $0x2800  }
0x4: {  	s17 =	simm.s32 $0x3000;
	s28 =	simm.s32 $0xED00;
	s29 =	simm.s32 $0x6C80  }
0x5: {  	s30 =	simm.s32 $0x12D00;
	s31 =	simm.s32 $0x1;
	s4 =	sand.u32 $0x1, s2  }
0x6: {  	s5 =	sshll.u32 s3, $0x1;
	s2 =	simm.s32 $0x0;
	s8 =	sadd.s32 $0x2000, s0  }
0x7: {  	s18 =	sadd.s32 $0x1E00, s0;
	s19 =	sadd.s32 $0x1C00, s0;
	s11 =	smul.u32 $0x180000, s3  }
0x8: {  	s20 =	sadd.s32 $0x2200, s0;
	s25 =	smul.u32 $0x30000, s3;
	p0 =	sne.s32 s3, $0x0  }
0x9: {  	s5 =	sor.u32 s4, s5;
	[smem:$0x7FF] =	sst s2;
	s22 =	ssub.s32 $0x2, s4  }
0xa: {  	s23 =	smul.u32 $0xC0000, s4;
	_ =	strace $0x80000047;
	[dreg:$0x3] =	wrdreg s8  }
0xb: {  	v0 =	vimm.s32 $0x8040201;
	v1 =	vimm.s32 $0x80402010;
	s4 =	smul.u32 $0x18000, s4;
	s13 =	sshrl.u32 @!p0 s1, $0x3;
	[dreg:$0x4] =	wrdreg s18  }
0xc: {  	v0 =	vunpack.c.0.s8.s32 v0;
	v1 =	vunpack.c.0.s8.s32 v1;
	s6 =	sshll.u32 s5, $0xA;
	s7 =	smul.u32 $0x1800, s5;
	[dreg:$0x5] =	wrdreg s19  }
0xd: {  	vm0 =	vcmask $0xF00;
	[dreg:$0x6] =	wrdreg s20;
	s9 =	sshrl.u32 s22, $0x1;
	s18 =	simm.s32 $0x6900  }
0xe: {  	vm8 =	vcmask $0x1F10;
	v0 =	vnsel vm0, $0x8000, v0;
	v1 =	vand.u32 $0xFF, v1;
	s19 =	simm.s32 $0x6A00;
	s20 =	simm.s32 $0x3;
	s6 =	sadd.s32 s6, s0  }
0xf: {  	vm9 =	vcmask $0x2320;
	s9 =	ssub.s32 s22, s9;
	v0 =	vsel vm8, v1, v0;
	s22 =	simm.s32 $0x4;
	s7 =	sshrl.u32 s7, $0x3  }
0x10: {  	vm10 =	vcmask $0x2724;
	s6 =	sadd.s32 $0xA200, s6;
	s26 =	smax.u32 s9, $0x1;
	v0 =	vsel vm9, $0x100, v0;
	s21 =	sadd.s32 s7, s0  }
0x11: {  	vm11 =	vcmask $0x2B28;
	s0 =	sadd.s32 $0x18200, s0;
	s7 =	sshll.u32 s5, $0x6;
	[dreg:$0x7] =	wrdreg s6;
	v0 =	vsel vm10, $0x200, v0  }
.Ltmp0:
0x12: {  	vm12 =	vcmask $0x2F2C;
	[dreg:$0x9] =	wrdreg s26;
	s5 =	sadd.s32 s23, s11;
	v0 =	vsel vm11, $0x400, v0;
	(pc) =	sbr.rel .LBB2_1-.Ltmp0, $4  }
0x13: {  	vm13 =	vcmask $0x3330;
	s23 =	simm.s32 $0x6D00;
	s26 =	simm.s32 $0x0;
	s24 =	sadd.s32 $0x12200, s21;
	v0 =	vsel vm12, $0x800, v0  }
0x14: {  	vm14 =	vcmask $0x3734;
	s6 =	sadd.s32 s25, s0;
	s5 =	sshrl.u32 s5, $0x3;
	s21 =	simm.s32 $0x80;
	v1 =	vsel vm13, $0x1000, v0  }
0x15: {  	vm15 =	vcmask $0x3B38;
	v2 =	vlaneseq.u32;
	s25 =	simm.s32 $0xAD00;
	[dreg:$0x8] =	wrdreg s24;
	s11 =	sadd.s32 s4, s6;
	v3 =	vsel vm14, $0x2000, v1  }
0x16: {  	s12 =	sadd.s32 s5, s0;
	s0 =	simm.s32 $0x2;
	s24 =	simm.s32 $0x0;
	v0 =	vimm.s32 $0x0;
	v1 =	vimm.f32 $1.000000000e+04;
	v3 =	vsel vm15, $0x4000, v3  }
.LBB2_14:
0x17: {  	s24 =	sadd.s32 $0x1, s24;
	s3 =	rddreg [dreg:$0x9]  }
0x18: {  	p1 =	sne.s32 s24, s3  }
.Ltmp1:
0x19: {  	_ = 	snop;
	(pc) =	sbr.rel @!p1 .LBB2_15-.Ltmp1, $1  }
0x1a: {  	_ =	sdelay $0x3  }
.LBB2_1:
0x1b: {  	s3 =	simm.s32 @!p0 $0x1C05;
	s4 =	rddreg [dreg:$0x6]  }
0x1c: {  	[spmem:s13], [sflag:s3] =	dma.local @!p0 [hbm:s4], $0x8000  }
0x1d: {  	s3 =	simm.s32 @!p0 $0x5  }
0x1e: {  	_ =	swait.ge @!p0 [sflag:s3], $0x8000  }
0x1f: {  	[sflag:s3] =	ssyncset.done @!p0 $0x0  }
0x20: {  	s6 =	rddreg [dreg:$0x7];
	[sflag:s3] =	ssyncadd.s32 @!p0 $0xFFFF8000  }
0x21: {  	[tilespmem:s2], [sflag:$0x5] =	stream.linear.gather [hbm4b:s6+s2], $0x2000, $0x38;
	[tilespmem:$0x1AD00] =	vst v63  }
0x22: {  	_ =	swait.ge [sflag:s14], $0x2000  }
0x23: {  	[sflag:s14] =	ssyncset.done $0x0  }
0x24: {  	s8 =	rddreg [dreg:$0x3];
	[sflag:s14] =	ssyncadd.s32 $0xFFFFE000  }
0x25: {  	[tilespmem:s15], [sflag:$0x5] =	stream.linear.gather [hbm4b:s8+s2], $0x800, $0x38;
	[tilespmem:$0x1AD00] =	vst v63  }
0x26: {  	_ =	swait.ge [sflag:s14], $0x800  }
0x27: {  	[sflag:s14] =	ssyncset.done $0x0  }
0x28: {  	s9 =	rddreg [dreg:$0x4];
	[sflag:s14] =	ssyncadd.s32 $0xFFFFF800  }
0x29: {  	[tilespmem:s16], [sflag:$0x5] =	stream.linear.gather [hbm4b:s9+s2], $0x800, $0x38;
	[tilespmem:$0x1AD00] =	vst v63  }
0x2a: {  	_ =	swait.ge [sflag:s14], $0x800  }
0x2b: {  	[sflag:s14] =	ssyncset.done $0x0  }
0x2c: {  	s10 =	rddreg [dreg:$0x5];
	[sflag:s14] =	ssyncadd.s32 $0xFFFFF800  }
0x2d: {  	[tilespmem:s17], [sflag:$0x5] =	stream.linear.gather [hbm4b:s10+s2], $0x800, $0x38;
	[tilespmem:$0x1AD00] =	vst v63  }
0x2e: {  	_ =	swait.ge [sflag:s14], $0x800  }
0x2f: {  	[sflag:s14] =	ssyncset.done $0x0  }
0x30: {  	s4 =	simm.s32 $0x0;
	s3 =	simm.s32 $0x40;
	[sflag:s14] =	ssyncadd.s32 $0xFFFFF800  }
.LBB2_2:
0x31: {  	p1 =	sne.s32 s3, $0x5FC0;
	[tilespmem:s4+$0x3800] =	vst v0;
	s5 =	smov.u32 s3;
	s3 =	sadd.s32 $0x40, s3  }
.Ltmp2:
0x32: {  	[tilespmem:s4+$0x5080] =	vst v1;
	(pc) =	sbr.rel @p1 .LBB2_2-.Ltmp2, $2  }
0x33: {  	_ =	sdelay $0x2  }
0x34: {  	s4 =	sshra.s32 s5, $0x2  }
.Ltmp3:
0x35: {  	(pc) =	sbr.rel .LBB2_4-.Ltmp3, $3  }
0x36: {  	_ =	sdelay $0x1  }
0x37: {  	[tilespmem:s4+$0x3800] =	vst v0  }
0x38: {  	[tilespmem:s4+$0x5080] =	vst v1;
	s3 =	simm.s32 $0x0;
	s4 =	simm.s32 $0x0  }
.LBB2_9:
0x39: {  	(xrf0) =	vadd.scan.msk.s32 $0xffff, v12;
	_ =	sdelay $0x5  }
0x3a: {  	v4, _, _ =	vpop (xrf0)  }
0x3b: {  	(v2sf) =	vpush v4, $0xF;
	_ =	sdelay $0xa  }
0x3c: {  	v5 =	vmul.f32 v9, v9;
	v4 =	vadd.f32 v11, v10;
	_ =	sdelay $0x1  }
0x3d: {  	v4 =	vadd.f32 v5, v4  }
0x3e: {  	[tilespmem:v7+s5+$0x3800 ss:$0x1] =	vst.idx.msk vm0, v8  }
0x3f: {  	[tilespmem:v7+s5+$0x5080 ss:$0x1] =	vst.idx.msk vm0, v4;
	s10 =	spop (v2sf)  }
.LBB2_10:
0x40: {  	s4 =	sadd.s32 $0x1, s4  }
0x41: {  	p1 =	sne.s32 s4, $0x40  }
.Ltmp4:
0x42: {  	_ = 	snop;
	(pc) =	sbr.rel @!p1 .LBB2_11-.Ltmp4, $2  }
0x43: {  	_ =	sdelay $0x2  }
0x44: {  	s3 =	sadd.s32 $0x80, s3  }
.LBB2_4:
0x45: {  	v7 =	vld [tilespmem:s3+$0x0];
	_ =	sdelay $0x4  }
0x46: {  	s5 =	sadd.s32 s7, s4;
	vm0 =	vne.s32 v7, $0x0  }
0x47: {  	v6 =	vmov s5;
	v8 =	vsel vm0, $0x1, v0  }
0x48: {  	(xrf0) =	vadd.scan.msk.s32 $0xffff, v8;
	_ =	sdelay $0x2  }
0x49: {  	v8 =	vor.u32 s26, v2  }
0x4a: {  	v4 =	vld.idx.msk [tilespmem:v6+s15+$0x0], $0xffff  }
0x4b: {  	v5 =	vld.idx.msk [tilespmem:v6+s16+$0x0], $0xffff  }
0x4c: {  	v6 =	vld.idx.msk [tilespmem:v6+s17+$0x0], $0xffff;
	[tilespmem:s26+$0x6900] =	vst.msk vm0, v8;
	v8, _, _ =	vpop (xrf0)  }
0x4d: {  	(v2sf) =	vpush v8, $0xF;
	_ =	sdelay $0x1  }
0x4e: {  	s8 =	sadd.s32 $0x10, s3;
	[tilespmem:s26+$0x6A00] =	vst.msk vm0, v7  }
0x4f: {  	s9 =	simm.s32 $0x20;
	s6 =	simm.s32 $0x0;
	s5 =	simm.s32 $0x10;
	v7 =	vld [tilespmem:s8+$0x0]  }
.LBB2_5:
0x50: {  	p1 =	seq.s32 s9, $0x70;
	_ =	sdelay $0x3  }
0x51: {  	vm0 =	vne.s32 v7, $0x0  }
0x52: {  	v8 =	vsel vm0, $0x1, v0  }
0x53: {  	(xrf0) =	vadd.scan.msk.s32 $0xffff, v8;
	_ =	sdelay $0x4  }
0x54: {  	s10 =	spop (v2sf)  }
.Ltmp5:
0x55: {  	v8 =	vor.u32 s5, v2;
	s5 =	smov.u32 s9;
	v9, _, _ =	vpop (xrf0);
	s6 =	sadd.s32 s6, s10;
	(pc) =	sbr.rel @!p1 .LBB2_5-.Ltmp5, $4  }
0x56: {  	[tilespmem:s6+$0x6900] =	vst.msk vm0, v8;
	(v2sf) =	vpush v9, $0xF  }
0x57: {  	[tilespmem:s6+$0x6A00] =	vst.msk vm0, v7  }
0x58: {  	s8 =	sadd.s32 $0x10, s8  }
0x59: {  	s9 =	sadd.s32 $0x10, s9;
	v7 =	vld [tilespmem:s8+$0x0]  }
0x5a: {  	_ =	sdelay $0x3  }
0x5b: {  	vm0 =	vne.s32 v7, $0x0  }
0x5c: {  	v8 =	vsel vm0, $0x1, v0  }
0x5d: {  	(xrf0) =	vadd.scan.msk.s32 $0xffff, v8;
	_ =	sdelay $0x5  }
0x5e: {  	v8, _, _ =	vpop (xrf0)  }
0x5f: {  	(v2sf) =	vpush v8, $0xF;
	_ =	sdelay $0xd  }
0x60: {  	s8 =	spop (v2sf)  }
0x61: {  	v8 =	vor.u32 s5, v2;
	s5 =	sadd.s32 s6, s8;
	s6 =	spop (v2sf)  }
0x62: {  	s8 =	sadd.s32 s5, s6  }
0x63: {  	p1 =	slt.s32 s8, $0x1  }
.Ltmp6:
0x64: {  	_ = 	snop;
	(pc) =	sbr.rel @p1 .LBB2_10-.Ltmp6, $3  }
0x65: {  	_ =	sdelay $0x1  }
0x66: {  	[tilespmem:s5+$0x6900] =	vst.msk vm0, v8  }
0x67: {  	[tilespmem:s5+$0x6A00] =	vst.msk vm0, v7  }
0x68: {  	s6 =	sadd.s32 s5, s6;
	s5 =	simm.s32 $0x0  }
0x69: {  	v9 =	vmov s5;
	_ =	sdelay $0x4  }
0x6a: {  	v8 =	vld.idx.msk [tilespmem:v9+s18+$0x0], $0xffff;
	_ =	sdelay $0x4  }
0x6b: {  	v8 =	vshll.u32 v8, $0x4  }
0x6c: {  	v8 =	vor.u32 v2, v8;
	_ =	sdelay $0x4  }
0x6d: {  	v10 =	vld.idx.msk [tilespmem:v8+s17+$0x0], $0xffff  }
0x6e: {  	v11 =	vld.idx.msk [tilespmem:v8+s15+$0x0], $0xffff  }
0x6f: {  	v12 =	vld.idx.msk [tilespmem:v8+s16+$0x0], $0xffff;
	_ =	sdelay $0x3  }
0x70: {  	v11 =	vsub.f32 v11, v4;
	v10 =	vsub.f32 v10, v6  }
0x71: {  	v12 =	vsub.f32 v12, v5  }
0x72: {  	vm0 =	vlt.f32 v11, $-1.500000000e+01;
	vm1 =	vge.f32 v11, $1.500000000e+01;
	vm2 =	vlt.f32 v10, $-1.500000000e+01  }
0x73: {  	v9 =	vld.idx.msk [tilespmem:v9+s19+$0x0], $0xffff;
	vm3 =	vge.f32 v12, $1.500000000e+01;
	v13 =	vsel vm0, $0x3F800000, v0;
	vm0 =	vlt.f32 v12, $-1.500000000e+01  }
0x74: {  	v14 =	vsel vm1, $0x3F800000, v0;
	v16 =	vsel vm3, $0x3F800000, v0;
	v15 =	vsel vm0, $0x3F800000, v0  }
0x75: {  	v13 =	vsub.f32 v13, v14;
	vm0 =	vge.f32 v10, $1.500000000e+01;
	v14 =	vsub.f32 v15, v16  }
0x76: {  	v15 =	vsel vm2, $0x3F800000, v0;
	v63 =	vsel vm0, $0x3F800000, v0  }
0x77: {  	s8 =	smul.u32 $0x60, s4;
	p1 =	sne.s32 s6, $0x1;
	v15 =	vsub.f32 v15, v63;
	v13 =	vmul.f32 $3.000000000e+01, v13;
	v14 =	vmul.f32 $3.000000000e+01, v14  }
.Ltmp7:
0x78: {  	v9 =	vand.u32 v3, v9;
	(pc) =	sbr.rel @!p1 .LBB2_9-.Ltmp7, $4  }
0x79: {  	v15 =	vmul.f32 $3.000000000e+01, v15;
	v11 =	vadd.f32 v13, v11;
	v12 =	vadd.f32 v14, v12  }
0x7a: {  	v7 =	vmov s8;
	vm0 =	vne.s32 v9, $0x0  }
0x7b: {  	v9 =	vadd.f32 v15, v10;
	v10 =	vmul.f32 v11, v11;
	v11 =	vmul.f32 v12, v12  }
0x7c: {  	s8 =	simm.s32 $0x1;
	v12 =	vsel vm0, $0x1, v0  }
.LBB2_8:
0x7d: {  	v13 =	vmov s8;
	v10 =	vadd.f32 v11, v10;
	v9 =	vmul.f32 v9, v9;
	(xrf0) =	vadd.scan.msk.s32 $0xffff, v12;
	_ =	sdelay $0x1  }
0x7e: {  	s8 =	sadd.s32 $0x1, s8;
	v9 =	vadd.f32 v9, v10  }
0x7f: {  	p1 =	sne.s32 s6, s8;
	[tilespmem:v7+s5+$0x3800 ss:$0x1] =	vst.idx.msk vm0, v8  }
0x80: {  	[tilespmem:v7+s5+$0x5080 ss:$0x1] =	vst.idx.msk vm0, v9  }
0x81: {  	v8 =	vld.idx.msk [tilespmem:v13+s18+$0x0], $0xffff  }
0x82: {  	v9, _, _ =	vpop (xrf0)  }
0x83: {  	(v2sf) =	vpush v9, $0xF;
	_ =	sdelay $0x3  }
0x84: {  	v8 =	vshll.u32 v8, $0x4  }
0x85: {  	v8 =	vor.u32 v2, v8;
	_ =	sdelay $0x4  }
0x86: {  	v9 =	vld.idx.msk [tilespmem:v8+s17+$0x0], $0xffff  }
0x87: {  	v10 =	vld.idx.msk [tilespmem:v8+s15+$0x0], $0xffff  }
0x88: {  	v11 =	vld.idx.msk [tilespmem:v8+s16+$0x0], $0xffff;
	_ =	sdelay $0x2  }
0x89: {  	s9 =	spop (v2sf)  }
0x8a: {  	s5 =	sadd.s32 s5, s9  }
0x8b: {  	v9 =	vsub.f32 v9, v6;
	v10 =	vsub.f32 v10, v4  }
0x8c: {  	v11 =	vsub.f32 v11, v5  }
0x8d: {  	vm2 =	vlt.f32 v9, $-1.500000000e+01;
	vm0 =	vlt.f32 v10, $-1.500000000e+01;
	vm1 =	vge.f32 v10, $1.500000000e+01;
	v12 =	vld.idx.msk [tilespmem:v13+s19+$0x0], $0xffff  }
0x8e: {  	v13 =	vsel vm0, $0x3F800000, v0;
	vm0 =	vlt.f32 v11, $-1.500000000e+01;
	vm3 =	vge.f32 v11, $1.500000000e+01  }
0x8f: {  	v14 =	vsel vm1, $0x3F800000, v0;
	v15 =	vsel vm0, $0x3F800000, v0;
	v16 =	vsel vm3, $0x3F800000, v0  }
0x90: {  	v13 =	vsub.f32 v13, v14;
	vm0 =	vge.f32 v9, $1.500000000e+01;
	v14 =	vsub.f32 v15, v16  }
0x91: {  	v15 =	vsel vm2, $0x3F800000, v0;
	v16 =	vsel vm0, $0x3F800000, v0  }
0x92: {  	v13 =	vmul.f32 $3.000000000e+01, v13;
	v15 =	vsub.f32 v15, v16;
	v14 =	vmul.f32 $3.000000000e+01, v14  }
.Ltmp8:
0x93: {  	v12 =	vand.u32 v3, v12;
	(pc) =	sbr.rel @p1 .LBB2_8-.Ltmp8, $4  }
0x94: {  	v10 =	vadd.f32 v13, v10;
	v13 =	vmul.f32 $3.000000000e+01, v15;
	v11 =	vadd.f32 v14, v11  }
0x95: {  	vm0 =	vne.s32 v12, $0x0  }
0x96: {  	v9 =	vadd.f32 v13, v9;
	v10 =	vmul.f32 v10, v10;
	v11 =	vmul.f32 v11, v11  }
0x97: {  	v12 =	vsel vm0, $0x1, v0  }
.Ltmp9:
0x98: {  	_ = 	snop;
	(pc) =	sbr.rel .LBB2_9-.Ltmp9, $1  }
0x99: {  	_ =	sdelay $0x3  }
.LBB2_11:
0x9a: {  	s3 =	simm.s32 $0x0;
	s4 =	rddreg [dreg:$0x8];
	s5 =	simm.s32 $0x5080  }
0x9b: {  	[hbm4b:s4+s3] =	stream.linear.scatter [tilespmem:s5], [sflag:$0x5], $0x1800, $0x38;
	[tilespmem:$0x1AD00] =	vst v63  }
0x9c: {  	_ =	swait.ge [sflag:s14], $0x1800  }
0x9d: {  	[sflag:s14] =	ssyncset.done $0x0  }
0x9e: {  	[sflag:s14] =	ssyncadd.s32 $0xFFFFE800  }
0x9f: {  	[bflag:$0x0] =	sbarrier.arrive $0xFFFF  }
0xa0: {  	v4 =	vld [tilespmem:$0x3800]  }
0xa1: {  	v5 =	vld [tilespmem:$0x3810]  }
0xa2: {  	v6 =	vld [tilespmem:$0x3820]  }
0xa3: {  	v7 =	vld [tilespmem:$0x3830]  }
0xa4: {  	v8 =	vld [tilespmem:$0x3840]  }
0xa5: {  	v51 =	vld [tilespmem:$0x3870];
	[tilespmem:$0x6B00] =	vst v4  }
0xa6: {  	v4 =	vld [tilespmem:$0x3850];
	[tilespmem:$0x6B10] =	vst v5  }
0xa7: {  	v5 =	vld [tilespmem:$0x3860];
	[tilespmem:$0x6B20] =	vst v6  }
0xa8: {  	[tilespmem:$0x6B30] =	vst v7  }
0xa9: {  	[tilespmem:$0x6B40] =	vst v8  }
0xaa: {  	[tilespmem:$0x6B70] =	vst v51  }
0xab: {  	[tilespmem:$0x6B50] =	vst v4  }
0xac: {  	s8 =	simm.s32 $0x6B00;
	[tilespmem:$0x6B60] =	vst v5  }
0xad: {  	[tilespmem:s23], [sflag:$0x1] =	stream.indirect.gather [spmem:s1], $0x80, s8, s21, $0xb8;
	[tilespmem:$0x1AD00] =	vst v63  }
0xae: {  	v4 =	vld [tilespmem:$0x3880]  }
0xaf: {  	v5 =	vld [tilespmem:$0x3890]  }
0xb0: {  	v52 =	vld [tilespmem:$0x38A0]  }
0xb1: {  	v53 =	vld [tilespmem:$0x38B0]  }
0xb2: {  	v54 =	vld [tilespmem:$0x38C0]  }
0xb3: {  	v55 =	vld [tilespmem:$0x38F0];
	[tilespmem:$0x6B80] =	vst v4  }
0xb4: {  	v4 =	vld [tilespmem:$0x38D0];
	[tilespmem:$0x6B90] =	vst v5  }
0xb5: {  	v5 =	vld [tilespmem:$0x38E0];
	[tilespmem:$0x6BA0] =	vst v52  }
0xb6: {  	[tilespmem:$0x6BB0] =	vst v53  }
0xb7: {  	[tilespmem:$0x6BC0] =	vst v54  }
0xb8: {  	[tilespmem:$0x6BF0] =	vst v55  }
0xb9: {  	[tilespmem:$0x6BD0] =	vst v4  }
0xba: {  	s9 =	simm.s32 $0x6B80;
	[tilespmem:$0x6BE0] =	vst v5  }
0xbb: {  	[tilespmem:s25], [sflag:$0x2] =	stream.indirect.gather [spmem:s1], $0x80, s9, s21, $0xb8;
	[tilespmem:$0x1AD00] =	vst v63  }
0xbc: {  	v4 =	vld [tilespmem:$0x3900]  }
0xbd: {  	v5 =	vld [tilespmem:$0x3910]  }
0xbe: {  	v56 =	vld [tilespmem:$0x3920]  }
0xbf: {  	v57 =	vld [tilespmem:$0x3930]  }
0xc0: {  	v58 =	vld [tilespmem:$0x3940]  }
0xc1: {  	v59 =	vld [tilespmem:$0x3970];
	[tilespmem:$0x6C00] =	vst v4  }
0xc2: {  	v4 =	vld [tilespmem:$0x3950];
	[tilespmem:$0x6C10] =	vst v5  }
0xc3: {  	v5 =	vld [tilespmem:$0x3960];
	[tilespmem:$0x6C20] =	vst v56  }
0xc4: {  	[tilespmem:$0x6C30] =	vst v57  }
0xc5: {  	[tilespmem:$0x6C40] =	vst v58  }
0xc6: {  	[tilespmem:$0x6C70] =	vst v59  }
0xc7: {  	[tilespmem:$0x6C50] =	vst v4  }
0xc8: {  	s10 =	simm.s32 $0x6C00;
	[tilespmem:$0x6C60] =	vst v5  }
0xc9: {  	[tilespmem:s28], [sflag:$0x3] =	stream.indirect.gather [spmem:s1], $0x80, s10, s21, $0xb8;
	[tilespmem:$0x1AD00] =	vst v63  }
0xca: {  	v4 =	vld [tilespmem:$0x3980]  }
0xcb: {  	v5 =	vld [tilespmem:$0x3990]  }
0xcc: {  	v60 =	vld [tilespmem:$0x39A0]  }
0xcd: {  	v61 =	vld [tilespmem:$0x39B0]  }
0xce: {  	v62 =	vld [tilespmem:$0x39C0]  }
0xcf: {  	v63 =	vld [tilespmem:$0x39F0];
	[tilespmem:$0x6C80] =	vst v4  }
0xd0: {  	v4 =	vld [tilespmem:$0x39D0];
	[tilespmem:$0x6C90] =	vst v5  }
0xd1: {  	v5 =	vld [tilespmem:$0x39E0];
	[tilespmem:$0x6CA0] =	vst v60  }
0xd2: {  	[tilespmem:$0x6CB0] =	vst v61  }
0xd3: {  	[tilespmem:$0x6CC0] =	vst v62  }
0xd4: {  	[tilespmem:$0x6CF0] =	vst v63  }
0xd5: {  	[tilespmem:$0x6CD0] =	vst v4  }
0xd6: {  	s4 =	simm.s32 $0x3BF0;
	[tilespmem:$0x6CE0] =	vst v5  }
0xd7: {  	[tilespmem:s30], [sflag:$0x4] =	stream.indirect.gather [spmem:s1], $0x80, s29, s21, $0xb8;
	[tilespmem:$0x1AD00] =	vst v63  }
.LBB2_12:
0xd8: {  	_ =	swait.ge [sflag:s31], $0x4000  }
0xd9: {  	[sflag:s31] =	ssyncset.done $0x0  }
0xda: {  	s5 =	sadd.s32 s3, s12;
	[sflag:s31] =	ssyncadd.s32 $0xFFFFC000  }
0xdb: {  	[hbm4b:s5+s2] =	stream.linear.scatter [tilespmem:s23], [sflag:$0x5], $0x4000, $0x38;
	[tilespmem:$0x1AD00] =	vst v63  }
0xdc: {  	_ =	swait.ge [sflag:s14], $0x4000  }
0xdd: {  	[sflag:s14] =	ssyncset.done $0x0  }
0xde: {  	p1 =	seq.s32 s3, $0x16000;
	[sflag:s14] =	ssyncadd.s32 $0xFFFFC000  }
0xdf: {  	v4 =	vld @!p1 [tilespmem:s4+$0xFFFFFE10];
	_ =	sdelay $0x4  }
0xe0: {  	[tilespmem:$0x6B00] =	vst @!p1 v4  }
0xe1: {  	v4 =	vld @!p1 [tilespmem:s4+$0xFFFFFE20];
	_ =	sdelay $0x4  }
0xe2: {  	[tilespmem:$0x6B10] =	vst @!p1 v4  }
0xe3: {  	v4 =	vld @!p1 [tilespmem:s4+$0xFFFFFE30];
	_ =	sdelay $0x4  }
0xe4: {  	[tilespmem:$0x6B20] =	vst @!p1 v4  }
0xe5: {  	v4 =	vld @!p1 [tilespmem:s4+$0xFFFFFE40];
	_ =	sdelay $0x4  }
0xe6: {  	[tilespmem:$0x6B30] =	vst @!p1 v4  }
0xe7: {  	v4 =	vld @!p1 [tilespmem:s4+$0xFFFFFE50];
	_ =	sdelay $0x4  }
0xe8: {  	[tilespmem:$0x6B40] =	vst @!p1 v4  }
0xe9: {  	v4 =	vld @!p1 [tilespmem:s4+$0xFFFFFE60];
	_ =	sdelay $0x4  }
0xea: {  	[tilespmem:$0x6B50] =	vst @!p1 v4  }
0xeb: {  	v4 =	vld @!p1 [tilespmem:s4+$0xFFFFFE70];
	_ =	sdelay $0x4  }
0xec: {  	[tilespmem:$0x6B60] =	vst @!p1 v4  }
0xed: {  	v4 =	vld @!p1 [tilespmem:s4+$0xFFFFFE80];
	_ =	sdelay $0x4  }
0xee: {  	s6 =	simm.s32 @!p1 $0x6B00;
	s8 =	simm.s32 @!p1 $0x6D00;
	s5 =	simm.s32 @!p1 $0x80;
	[tilespmem:$0x6B70] =	vst @!p1 v4  }
0xef: {  	[tilespmem:s8], [sflag:$0x1] =	stream.indirect.gather @!p1 [spmem:s1], $0x80, s6, s5, $0xb8;
	[tilespmem:$0x1AD00] =	vst v63  }
0xf0: {  	_ =	swait.ge [sflag:s0], $0x4000  }
0xf1: {  	s6 =	sadd.s32 s3, s11;
	[sflag:s0] =	ssyncset.done $0x0  }
0xf2: {  	s10 =	sadd.s32 $0x800, s6;
	[sflag:s0] =	ssyncadd.s32 $0xFFFFC000  }
0xf3: {  	[hbm4b:s10+s2] =	stream.linear.scatter [tilespmem:s25], [sflag:$0x5], $0x4000, $0x38;
	[tilespmem:$0x1AD00] =	vst v63  }
0xf4: {  	_ =	swait.ge [sflag:s14], $0x4000  }
0xf5: {  	[sflag:s14] =	ssyncset.done $0x0  }
0xf6: {  	[sflag:s14] =	ssyncadd.s32 $0xFFFFC000  }
0xf7: {  	v4 =	vld @!p1 [tilespmem:s4+$0xFFFFFE90];
	_ =	sdelay $0x4  }
0xf8: {  	[tilespmem:$0x6B80] =	vst @!p1 v4  }
0xf9: {  	v4 =	vld @!p1 [tilespmem:s4+$0xFFFFFEA0];
	_ =	sdelay $0x4  }
0xfa: {  	[tilespmem:$0x6B90] =	vst @!p1 v4  }
0xfb: {  	v4 =	vld @!p1 [tilespmem:s4+$0xFFFFFEB0];
	_ =	sdelay $0x4  }
0xfc: {  	[tilespmem:$0x6BA0] =	vst @!p1 v4  }
0xfd: {  	v4 =	vld @!p1 [tilespmem:s4+$0xFFFFFEC0];
	_ =	sdelay $0x4  }
0xfe: {  	[tilespmem:$0x6BB0] =	vst @!p1 v4  }
0xff: {  	v4 =	vld @!p1 [tilespmem:s4+$0xFFFFFED0];
	_ =	sdelay $0x4  }
0x100: {  	[tilespmem:$0x6BC0] =	vst @!p1 v4  }
0x101: {  	v4 =	vld @!p1 [tilespmem:s4+$0xFFFFFEE0];
	_ =	sdelay $0x4  }
0x102: {  	[tilespmem:$0x6BD0] =	vst @!p1 v4  }
0x103: {  	v4 =	vld @!p1 [tilespmem:s4+$0xFFFFFEF0];
	_ =	sdelay $0x4  }
0x104: {  	[tilespmem:$0x6BE0] =	vst @!p1 v4  }
0x105: {  	v4 =	vld @!p1 [tilespmem:s4+$0xFFFFFF00];
	_ =	sdelay $0x4  }
0x106: {  	s9 =	simm.s32 @!p1 $0xAD00;
	s8 =	simm.s32 @!p1 $0x6B80;
	[tilespmem:$0x6BF0] =	vst @!p1 v4  }
0x107: {  	[tilespmem:s9], [sflag:$0x2] =	stream.indirect.gather @!p1 [spmem:s1], $0x80, s8, s5, $0xb8;
	[tilespmem:$0x1AD00] =	vst v63  }
0x108: {  	_ =	swait.ge [sflag:s20], $0x4000  }
0x109: {  	[sflag:s20] =	ssyncset.done $0x0  }
0x10a: {  	s9 =	sadd.s32 $0x1000, s6;
	[sflag:s20] =	ssyncadd.s32 $0xFFFFC000  }
0x10b: {  	[hbm4b:s9+s2] =	stream.linear.scatter [tilespmem:s28], [sflag:$0x5], $0x4000, $0x38;
	[tilespmem:$0x1AD00] =	vst v63  }
0x10c: {  	_ =	swait.ge [sflag:s14], $0x4000  }
0x10d: {  	[sflag:s14] =	ssyncset.done $0x0  }
0x10e: {  	[sflag:s14] =	ssyncadd.s32 $0xFFFFC000  }
0x10f: {  	v4 =	vld @!p1 [tilespmem:s4+$0xFFFFFF10];
	_ =	sdelay $0x4  }
0x110: {  	[tilespmem:$0x6C00] =	vst @!p1 v4  }
0x111: {  	v4 =	vld @!p1 [tilespmem:s4+$0xFFFFFF20];
	_ =	sdelay $0x4  }
0x112: {  	[tilespmem:$0x6C10] =	vst @!p1 v4  }
0x113: {  	v4 =	vld @!p1 [tilespmem:s4+$0xFFFFFF30];
	_ =	sdelay $0x4  }
0x114: {  	[tilespmem:$0x6C20] =	vst @!p1 v4  }
0x115: {  	v4 =	vld @!p1 [tilespmem:s4+$0xFFFFFF40];
	_ =	sdelay $0x4  }
0x116: {  	[tilespmem:$0x6C30] =	vst @!p1 v4  }
0x117: {  	v4 =	vld @!p1 [tilespmem:s4+$0xFFFFFF50];
	_ =	sdelay $0x4  }
0x118: {  	[tilespmem:$0x6C40] =	vst @!p1 v4  }
0x119: {  	v4 =	vld @!p1 [tilespmem:s4+$0xFFFFFF60];
	_ =	sdelay $0x4  }
0x11a: {  	[tilespmem:$0x6C50] =	vst @!p1 v4  }
0x11b: {  	v4 =	vld @!p1 [tilespmem:s4+$0xFFFFFF70];
	_ =	sdelay $0x4  }
0x11c: {  	[tilespmem:$0x6C60] =	vst @!p1 v4  }
0x11d: {  	v4 =	vld @!p1 [tilespmem:s4+$0xFFFFFF80];
	_ =	sdelay $0x4  }
0x11e: {  	s8 =	simm.s32 @!p1 $0x6C00;
	s9 =	simm.s32 @!p1 $0xED00;
	[tilespmem:$0x6C70] =	vst @!p1 v4  }
0x11f: {  	[tilespmem:s9], [sflag:$0x3] =	stream.indirect.gather @!p1 [spmem:s1], $0x80, s8, s5, $0xb8;
	[tilespmem:$0x1AD00] =	vst v63  }
0x120: {  	_ =	swait.ge [sflag:s22], $0x4000  }
0x121: {  	[sflag:s22] =	ssyncset.done $0x0  }
.Ltmp10:
0x122: {  	s10 =	sadd.s32 $0x1800, s6;
	[sflag:s22] =	ssyncadd.s32 $0xFFFFC000;
	(pc) =	sbr.rel @p1 .LBB2_14-.Ltmp10, $4  }
0x123: {  	[hbm4b:s10+s2] =	stream.linear.scatter [tilespmem:s30], [sflag:$0x5], $0x4000, $0x38;
	[tilespmem:$0x1AD00] =	vst v63  }
0x124: {  	_ =	swait.ge [sflag:s14], $0x4000  }
0x125: {  	[sflag:s14] =	ssyncset.done $0x0  }
0x126: {  	[sflag:s14] =	ssyncadd.s32 $0xFFFFC000  }
0x127: {  	v4 =	vld [tilespmem:s4+$0xFFFFFF90];
	_ =	sdelay $0x4  }
0x128: {  	[tilespmem:$0x6C80] =	vst v4  }
0x129: {  	v4 =	vld [tilespmem:s4+$0xFFFFFFA0];
	_ =	sdelay $0x4  }
0x12a: {  	[tilespmem:$0x6C90] =	vst v4  }
0x12b: {  	v4 =	vld [tilespmem:s4+$0xFFFFFFB0];
	_ =	sdelay $0x4  }
0x12c: {  	[tilespmem:$0x6CA0] =	vst v4  }
0x12d: {  	v4 =	vld [tilespmem:s4+$0xFFFFFFC0];
	_ =	sdelay $0x4  }
0x12e: {  	[tilespmem:$0x6CB0] =	vst v4  }
0x12f: {  	v4 =	vld [tilespmem:s4+$0xFFFFFFD0];
	_ =	sdelay $0x4  }
0x130: {  	[tilespmem:$0x6CC0] =	vst v4  }
0x131: {  	v4 =	vld [tilespmem:s4+$0xFFFFFFE0];
	_ =	sdelay $0x4  }
0x132: {  	[tilespmem:$0x6CD0] =	vst v4  }
0x133: {  	v4 =	vld [tilespmem:s4+$0xFFFFFFF0];
	_ =	sdelay $0x4  }
0x134: {  	[tilespmem:$0x6CE0] =	vst v4  }
0x135: {  	v4 =	vld [tilespmem:s4+$0x0];
	_ =	sdelay $0x1  }
.Ltmp11:
0x136: {  	_ = 	snop;
	(pc) =	sbr.rel .LBB2_12-.Ltmp11, $3  }
0x137: {  	_ =	sdelay $0x1  }
0x138: {  	s3 =	sadd.s32 $0x2000, s3;
	s4 =	sadd.s32 $0x200, s4;
	[tilespmem:$0x6CF0] =	vst v4  }
0x139: {  	[tilespmem:s30], [sflag:$0x4] =	stream.indirect.gather [spmem:s1], $0x80, s29, s21, $0xb8;
	[tilespmem:$0x1AD00] =	vst v63  }
.LBB2_15:
0x13a: {  	_ =	sfence.sel $0x180000  }
0x13b: {  	[bflag:$0x0] =	sbarrier.arrive $0xFFFF  }
0x13c: {  	_ =	strace $0x90000047  }
0x13d: {  	[bflag:$0x2] =	sbarrier.arrive $0xFFFF  }
0x13e: {  	s0 =	rddreg [dreg:$0x2]  }
0x13f: {  	s0 =	sadd.s32 @!p0 $0x100000, s0  }
0x140: {  	[sflag:s0] =	ssyncadd.tile.s32 @!p0 $0x1;
	_ =	shalt  }
.Lfunc_end2:
_tile_overlayer_lowered:
.L_overlay_start_2:
0x141: {  	(tag) =	ssettag $0x2  }
0x142: {  	s0 =	rddreg [dreg:$0x0];
	s2 =	stileid.u32  }
0x143: {  	s1 =	rddreg [dreg:$0x1];
	p0 =	sne.s32 s2, $0x0  }
0x144: {  	s3 =	rddreg [dreg:$0x2];
	[bflag:$0x3] =	sbarrier.arrive $0xFFFF;
	s2 =	simm.s32 @!p0 $0x1C05  }
0x145: {  	[timem:s3], [sflag:s2] =	dma.local @!p0 [hbm:s0], s1  }
0x146: {  	s0 =	simm.s32 @!p0 $0x5  }
0x147: {  	_ =	swait.ge @!p0 [sflag:s0], s1  }
0x148: {  	s1 =	ssub.s32 @!p0 $0x0, s1;
	[sflag:s0] =	ssyncset.done @!p0 $0x0  }
0x149: {  	[sflag:s0] =	ssyncadd.s32 @!p0 s1  }
0x14a: {  	[bflag:$0x3] =	sbarrier.arrive $0xFFFF  }
0x14b: {  	_ =	shalt  }

</sc_bundles>
